<compile_context>
chip_gen: v7x
topology: tpu7x:2x2x1
jax: 0.10.2.dev20260603
libtpu: 0.0.44.dev20260713+nightly
codegen_flags: <defaults>
</compile_context>

<pallas_src>
import jax
import jax.numpy as jnp
from jax import lax
from jax.experimental import pallas as pl
from jax.experimental.pallas import tpu as pltpu
from jax.experimental.pallas import tpu_sc as plsc

NC = 2
NS = 16
L = 16
NW = NC * NS
FG = 4
ES = NW // FG

_SC_PARAMS = pltpu.CompilerParams(
    needs_layout_passes=False, use_tc_tiling_on_sc=False)


def _build_sc_scalar_agg(e, n, np_, gather):
    ew_per_worker = e // NW
    assert e % NW == 0 and ew_per_worker % L == 0
    mesh = plsc.VectorSubcoreMesh(core_axis_name="c", subcore_axis_name="s")

    scratch = [
        pltpu.VMEM((ew_per_worker,), jnp.int32),
        pltpu.VMEM((ew_per_worker,), jnp.float32),
        pltpu.VMEM((np_,), jnp.float32),
        pltpu.SemaphoreType.DMA,
    ]
    if gather:
        scratch += [
            pltpu.VMEM((ew_per_worker,), jnp.int32),
            pltpu.VMEM((n,), jnp.float32),
        ]

    def body(*refs):
        if gather:
            (src_hbm, dst_hbm, ew_hbm, tab_hbm, out_hbm,
             didx, evals, acc, sem, sidx, tab) = refs
        else:
            (dst_hbm, ew_hbm, out_hbm, didx, evals, acc, sem) = refs
        cid = lax.axis_index("c")
        sid = lax.axis_index("s")
        wid = sid * NC + cid
        base = wid * ew_per_worker

        pltpu.async_copy(dst_hbm.at[pl.ds(base, ew_per_worker)], didx, sem)
        pltpu.async_copy(ew_hbm.at[pl.ds(base, ew_per_worker)], evals, sem)
        if gather:
            pltpu.async_copy(src_hbm.at[pl.ds(base, ew_per_worker)], sidx, sem)
            pltpu.async_copy(tab_hbm, tab, sem)

        @plsc.parallel_loop(0, np_ // L, unroll=8)
        def zero(i):
            acc[pl.ds(i * L, L)] = jnp.zeros((L,), jnp.float32)

        pltpu.make_async_copy(dst_hbm.at[pl.ds(0, ew_per_worker)], didx, sem).wait()
        pltpu.make_async_copy(ew_hbm.at[pl.ds(0, ew_per_worker)], evals, sem).wait()
        if gather:
            pltpu.make_async_copy(src_hbm.at[pl.ds(0, ew_per_worker)], sidx, sem).wait()
            pltpu.make_async_copy(tab_hbm, tab, sem).wait()

        @plsc.parallel_loop(0, ew_per_worker // L, unroll=4)
        def grp(g):
            dv = didx[pl.ds(g * L, L)]
            ev = evals[pl.ds(g * L, L)]
            if gather:
                sv = sidx[pl.ds(g * L, L)]
                ev = ev * plsc.load_gather(tab, [sv])
            plsc.addupdate_scatter(acc, [dv], ev)

        pltpu.sync_copy(acc, out_hbm.at[pl.ds(wid * np_, np_)])

    return pl.kernel(
        body,
        out_type=jax.ShapeDtypeStruct((NW * np_,), jnp.float32),
        mesh=mesh,
        scratch_types=scratch,
        compiler_params=_SC_PARAMS,
    )


def _build_sc_row_agg(e, n, np_, ch, h):
    rows = e // ch
    assert e % ch == 0 and rows % ES == 0 and (rows // ES) % 2 == 0
    cpt = rows // ES
    mesh = plsc.VectorSubcoreMesh(core_axis_name="c", subcore_axis_name="s")

    scratch = [
        pltpu.VMEM((FG * n,), jnp.float32),
        pltpu.VMEM((FG * np_,), jnp.float32),
        pltpu.VMEM((ch,), jnp.int32),
        pltpu.VMEM((ch,), jnp.int32),
        pltpu.VMEM((ch,), jnp.int32),
        pltpu.VMEM((ch,), jnp.int32),
        pltpu.VMEM((ch,), jnp.float32),
        pltpu.VMEM((ch,), jnp.float32),
        pltpu.SemaphoreType.DMA,
        pltpu.SemaphoreType.DMA,
        pltpu.SemaphoreType.DMA,
    ]

    def body(src_hbm, dst_hbm, ew_hbm, hpt, out_hbm,
             hq, acc, sb0, sb1, db0, db1, eb0, eb1, sem0, sem1, semh):
        cid = lax.axis_index("c")
        sid = lax.axis_index("s")
        wid = sid * NC + cid
        fg = wid % FG
        es = wid // FG
        sb = (sb0, sb1)
        db = (db0, db1)
        eb = (eb0, eb1)
        sems = (sem0, sem1)

        def start(b, ci):
            off = (es * cpt + ci) * ch
            pltpu.async_copy(src_hbm.at[pl.ds(off, ch)], sb[b], sems[b])
            pltpu.async_copy(dst_hbm.at[pl.ds(off, ch)], db[b], sems[b])
            pltpu.async_copy(ew_hbm.at[pl.ds(off, ch)], eb[b], sems[b])

        def drain(b):
            pltpu.make_async_copy(src_hbm.at[pl.ds(0, ch)], sb[b], sems[b]).wait()
            pltpu.make_async_copy(dst_hbm.at[pl.ds(0, ch)], db[b], sems[b]).wait()
            pltpu.make_async_copy(ew_hbm.at[pl.ds(0, ch)], eb[b], sems[b]).wait()

        start(0, 0)
        pltpu.async_copy(hpt.at[pl.ds(fg * FG * n, FG * n)], hq, semh)

        @plsc.parallel_loop(0, (FG * np_) // L, unroll=8)
        def zero(i):
            acc[pl.ds(i * L, L)] = jnp.zeros((L,), jnp.float32)

        pltpu.make_async_copy(hpt.at[pl.ds(0, FG * n)], hq, semh).wait()

        coff_n = [jnp.full((L,), c * n, jnp.int32) for c in range(FG)]
        coff_p = [jnp.full((L,), c * np_, jnp.int32) for c in range(FG)]

        def outer(k, carry):
            for b in range(2):
                ci = k * 2 + b
                drain(b)

                @pl.when(ci + 1 < cpt)
                def _():
                    start(1 - b, ci + 1)

                @plsc.parallel_loop(0, ch // L, unroll=4)
                def grp(g):
                    sv = sb[b][pl.ds(g * L, L)]
                    dv = db[b][pl.ds(g * L, L)]
                    ev = eb[b][pl.ds(g * L, L)]
                    for c in range(FG):
                        gv = plsc.load_gather(hq, [sv + coff_n[c]])
                        plsc.addupdate_scatter(acc, [dv + coff_p[c]], gv * ev)
            return carry
        lax.fori_loop(0, cpt // 2, outer, 0)

        pltpu.sync_copy(acc, out_hbm.at[pl.ds(wid * FG * np_, FG * np_)])

    return pl.kernel(
        body,
        out_type=jax.ShapeDtypeStruct((NW * FG * np_,), jnp.float32),
        mesh=mesh,
        scratch_types=scratch,
        compiler_params=_SC_PARAMS,
    )


def _tc_call(body, out_shapes):
    return pl.pallas_call(body, out_shape=out_shapes)


def _tc_split_edges(edge_index, e):
    def body(ei_ref, s_ref, d_ref):
        v = ei_ref[...]
        s_ref[...] = v[0]
        d_ref[...] = v[1]
    return _tc_call(body, (
        jax.ShapeDtypeStruct((e,), jnp.int32),
        jax.ShapeDtypeStruct((e,), jnp.int32),
    ))(edge_index)


def _tc_norm(degp, w1, x, n, np_, h):
    def body(degp_ref, w_ref, x_ref, dinv_ref, hp_ref):
        dp = degp_ref[...]
        deg = jnp.full((n,), 1.0, jnp.float32)
        for w in range(NW):
            deg = deg + dp[w * np_:w * np_ + n]
        dinv = lax.rsqrt(deg)
        dinv_ref[...] = dinv
        hmat_t = lax.dot_general(
            w_ref[...], x_ref[...], (((0,), (1,)), ((), ())),
            preferred_element_type=jnp.float32)
        for f in range(h):
            hp_ref[pl.ds(f * n, n)] = hmat_t[f] * dinv
    return _tc_call(body, (
        jax.ShapeDtypeStruct((n,), jnp.float32),
        jax.ShapeDtypeStruct((h * n,), jnp.float32),
    ))(degp, w1, x)


def _tc_layer1_combine(aggp, hp, dinv, w2, b1, n, np_, h):
    def body(aggp_ref, hp_ref, dinv_ref, w2_ref, b1_ref, gp_ref):
        ap = aggp_ref[...]
        dv = dinv_ref[...]
        w2v = w2_ref[...]
        b1v = b1_ref[...]
        hpv = hp_ref[...]
        g = jnp.zeros((n,), jnp.float32)
        for f in range(h):
            fg, c = f // FG, f % FG
            agg_f = ap[(fg * FG + c) * np_:(fg * FG + c) * np_ + n]
            for es in range(1, ES):
                o = ((es * FG + fg) * FG + c) * np_
                agg_f = agg_f + ap[o:o + n]
            a1_f = jnp.maximum(
                dv * (agg_f + hpv[f * n:f * n + n]) + b1v[f], 0.0)
            g = g + a1_f * w2v[f, 0]
        gp_ref[...] = dv * g
    return _tc_call(body, jax.ShapeDtypeStruct((n,), jnp.float32))(
        aggp, hp, dinv, w2, b1)


def _tc_layer2_combine(agg2p, gp, dinv, b2, n, np_):
    def body(a2_ref, gp_ref, dinv_ref, b2_ref, o_ref):
        ap = a2_ref[...]
        agg2 = gp_ref[...]
        for w in range(NW):
            agg2 = agg2 + ap[w * np_:w * np_ + n]
        o_ref[...] = dinv_ref[...] * agg2 + b2_ref[...][0]
    return _tc_call(body, jax.ShapeDtypeStruct((n,), jnp.float32))(
        agg2p, gp, dinv, b2)


def kernel(x, edge_index, edge_weight, W1, b1, W2, b2):
    n, d = x.shape
    h = W1.shape[1]
    e = edge_index.shape[1]
    assert h == FG * FG
    np_ = ((n + 127) // 128) * 128

    ew = edge_weight.astype(jnp.float32)

    ch = 4000
    while e % ch != 0 or (e // ch) % ES != 0 or ((e // ch) // ES) % 2 != 0:
        ch -= 8

    src, dst = _tc_split_edges(edge_index.astype(jnp.int32), e)

    degp = _build_sc_scalar_agg(e, n, np_, gather=False)(dst, ew)

    dinv, hp = _tc_norm(degp, W1, x, n, np_, h)

    aggp = _build_sc_row_agg(e, n, np_, ch, h)(src, dst, ew, hp)

    gp = _tc_layer1_combine(aggp, hp, dinv, W2, b1, n, np_, h)

    agg2p = _build_sc_scalar_agg(e, n, np_, gather=True)(src, dst, ew, gp)

    return _tc_layer2_combine(agg2p, gp, dinv, b2, n, np_)

# --- scband reference (transcript-rebuilt; emitter-appended) ---
"""Pipeline reference for scband-sector-gcn-70549132804572 (READ-ONLY COPY).

The authoritative reference and input builder live on the scoring server;
editing this copy changes nothing except your own understanding.
"""

import jax, jax.numpy as jnp
import numpy as np

N = 10000
E = 320000
D = 128
H = 16


def gcn_conv(x, edge_index, edge_weight, W, b):
    # Faithful PyG GCNConv: add self-loops, symmetric normalization, linear, scatter-add, bias
    n = x.shape[0]
    src = edge_index[0]
    dst = edge_index[1]
    loop = jnp.arange(n, dtype=edge_index.dtype)
    src = jnp.concatenate([src, loop])
    dst = jnp.concatenate([dst, loop])
    ew = jnp.concatenate([edge_weight, jnp.ones((n,), dtype=edge_weight.dtype)])
    deg = jnp.zeros((n,), dtype=ew.dtype).at[dst].add(ew)
    dinv = jnp.where(deg > 0, deg ** -0.5, 0.0)
    norm = dinv[src] * ew * dinv[dst]
    h = x @ W
    msg = jnp.take(h, src, axis=0) * norm[:, None]
    out = jnp.zeros((n, h.shape[1]), dtype=h.dtype).at[dst].add(msg)
    return out + b


def setup_inputs(seed: int = 0):
    key = jax.random.key(seed)
    k1, k2, k3, k4, k5 = jax.random.split(key, 5)
    x = jax.random.normal(k1, (N, D), dtype=jnp.float32)
    edge_index = jax.random.randint(k2, (2, E), 0, N)
    edge_weight = jax.random.uniform(k3, (E,), dtype=jnp.float32)
    W1 = jax.random.normal(k4, (D, H), dtype=jnp.float32) * 0.1
    b1 = jnp.zeros((H,), dtype=jnp.float32)
    W2 = jax.random.normal(k5, (H, 1), dtype=jnp.float32) * 0.1
    b2 = jnp.zeros((1,), dtype=jnp.float32)
    return {"x": x, "edge_index": edge_index, "edge_weight": edge_weight, "W1": W1, "b1": b1, "W2": W2, "b2": b2}


def reference(x, edge_index, edge_weight, W1, b1, W2, b2):
    h = gcn_conv(x, edge_index, edge_weight, W1, b1)
    h = jax.nn.relu(h)
    out = gcn_conv(h, edge_index, edge_weight, W2, b2)
    return jnp.squeeze(out, -1)

if __name__ == "__main__":
    import jax
    _d = setup_inputs()
    print(jax.jit(kernel)(*tuple(_d.values())))

</pallas_src>

<mosaic_0001>
#map = affine_map<(d0, d1) -> (0)>
module attributes {stable_mosaic.version = 14 : i64} {
  func.func @body(%arg0: i32, %arg1: i32, %arg2: memref<320000xi32, #tpu.memory_space<hbm>>, %arg3: memref<320000xf32, #tpu.memory_space<hbm>>, %arg4: memref<323584xf32, #tpu.memory_space<hbm>>, %arg5: memref<10000xi32, #tpu.memory_space<vmem>>, %arg6: memref<10000xf32, #tpu.memory_space<vmem>>, %arg7: memref<10112xf32, #tpu.memory_space<vmem>>, %arg8: memref<!tpu.dma_semaphore, #tpu.memory_space<semaphore_mem>>) attributes {dimension_semantics = [#tpu.dimension_semantics<core_parallel>, #tpu.dimension_semantics<subcore_parallel>], iteration_bounds = array<i64: 2, 16>, scalar_prefetch = 0 : i64, scratch_operands = 4 : i64, tpu.core_type = #tpu.core_type<sc_vector_subcore>, window_params = [{transform_indices = #map}, {transform_indices = #map}, {transform_indices = #map}]} {
    %mul3A = arith.constant 2 : i32
    %mul3A_0 = arith.muli %arg1, %mul3A : i32
    %add3A = arith.addi %mul3A_0, %arg0 : i32
    %mul3A_1 = arith.constant 10000 : i32
    %mul3A_2 = arith.muli %add3A, %mul3A_1 : i32
    %dma_start3A = tpu.memref_slice %arg2[%mul3A_2] : memref<320000xi32, #tpu.memory_space<hbm>> -> memref<10000xi32, #tpu.memory_space<hbm>>
    %dma_start3A_3 = tpu.memref_slice %arg2[%mul3A_2] : memref<320000xi32, #tpu.memory_space<hbm>> -> memref<10000xi32, #tpu.memory_space<hbm>>
    tpu.enqueue_dma source(%dma_start3A_3 : memref<10000xi32, #tpu.memory_space<hbm>>) target(%arg5 : memref<10000xi32, #tpu.memory_space<vmem>>) target_semaphore(%arg8 : memref<!tpu.dma_semaphore, #tpu.memory_space<semaphore_mem>>)
    %dma_start3A_4 = tpu.memref_slice %arg3[%mul3A_2] : memref<320000xf32, #tpu.memory_space<hbm>> -> memref<10000xf32, #tpu.memory_space<hbm>>
    %dma_start3A_5 = tpu.memref_slice %arg3[%mul3A_2] : memref<320000xf32, #tpu.memory_space<hbm>> -> memref<10000xf32, #tpu.memory_space<hbm>>
    tpu.enqueue_dma source(%dma_start3A_5 : memref<10000xf32, #tpu.memory_space<hbm>>) target(%arg6 : memref<10000xf32, #tpu.memory_space<vmem>>) target_semaphore(%arg8 : memref<!tpu.dma_semaphore, #tpu.memory_space<semaphore_mem>>)
    %parallel_loop3A = arith.constant 0 : i32
    %parallel_loop3A_6 = arith.constant 632 : i32
    %parallel_loop3A_7 = arith.constant 1 : i32
    scf.for %parallel_loop3A_20 = %parallel_loop3A to %parallel_loop3A_6 step %parallel_loop3A_7  : i32 {
      %parallel_loop3A_21 = arith.constant 0.000000e+00 : f32
      %parallel_loop3A_22 = vector.broadcast %parallel_loop3A_21 : f32 to vector<16xf32>
      %parallel_loop3A_23 = arith.constant 16 : i32
      %parallel_loop3A_24 = arith.muli %parallel_loop3A_20, %parallel_loop3A_23 : i32
      %parallel_loop3A_25 = arith.index_cast %parallel_loop3A_24 : i32 to index
      %parallel_loop3A_26 = tpu.vector_load %arg7[%parallel_loop3A_25] {strides = array<i32>} : memref<10112xf32, #tpu.memory_space<vmem>>, vector<16xf32>,
      tpu.vector_store %arg7[%parallel_loop3A_25], %parallel_loop3A_22 {strides = array<i32>} : memref<10112xf32, #tpu.memory_space<vmem>>, vector<16xf32>,
    } {sc.loop_unroll_factor = 8 : i64, sc.parallel_access}
    %dma_wait3A = arith.constant 0 : i32
    %dma_wait3A_8 = tpu.memref_slice %arg2[%dma_wait3A] : memref<320000xi32, #tpu.memory_space<hbm>> -> memref<10000xi32, #tpu.memory_space<hbm>>
    %dma_wait3A_9 = arith.constant 0 : i32
    %dma_wait3A_10 = tpu.memref_slice %arg2[%dma_wait3A_9] : memref<320000xi32, #tpu.memory_space<hbm>> -> memref<10000xi32, #tpu.memory_space<hbm>>
    tpu.wait_dma2 semaphore(%arg8 : memref<!tpu.dma_semaphore, #tpu.memory_space<semaphore_mem>>) src(%dma_wait3A_10 : memref<10000xi32, #tpu.memory_space<hbm>>) dst(%arg5 : memref<10000xi32, #tpu.memory_space<vmem>>)
    %dma_wait3A_11 = arith.constant 0 : i32
    %dma_wait3A_12 = tpu.memref_slice %arg3[%dma_wait3A_11] : memref<320000xf32, #tpu.memory_space<hbm>> -> memref<10000xf32, #tpu.memory_space<hbm>>
    %dma_wait3A_13 = arith.constant 0 : i32
    %dma_wait3A_14 = tpu.memref_slice %arg3[%dma_wait3A_13] : memref<320000xf32, #tpu.memory_space<hbm>> -> memref<10000xf32, #tpu.memory_space<hbm>>
    tpu.wait_dma2 semaphore(%arg8 : memref<!tpu.dma_semaphore, #tpu.memory_space<semaphore_mem>>) src(%dma_wait3A_14 : memref<10000xf32, #tpu.memory_space<hbm>>) dst(%arg6 : memref<10000xf32, #tpu.memory_space<vmem>>)
    %parallel_loop3A_15 = arith.constant 0 : i32
    %parallel_loop3A_16 = arith.constant 625 : i32
    %parallel_loop3A_17 = arith.constant 1 : i32
    scf.for %parallel_loop3A_20 = %parallel_loop3A_15 to %parallel_loop3A_16 step %parallel_loop3A_17  : i32 {
      %parallel_loop3A_21 = arith.constant 16 : i32
      %parallel_loop3A_22 = arith.muli %parallel_loop3A_20, %parallel_loop3A_21 : i32
      %parallel_loop3A_23 = arith.index_cast %parallel_loop3A_22 : i32 to index
      %parallel_loop3A_24 = tpu.vector_load %arg5[%parallel_loop3A_23] {strides = array<i32>} : memref<10000xi32, #tpu.memory_space<vmem>>, vector<16xi32>,
      %parallel_loop3A_25 = arith.constant 16 : i32
      %parallel_loop3A_26 = arith.muli %parallel_loop3A_20, %parallel_loop3A_25 : i32
      %parallel_loop3A_27 = arith.index_cast %parallel_loop3A_26 : i32 to index
      %parallel_loop3A_28 = tpu.vector_load %arg6[%parallel_loop3A_27] {strides = array<i32>} : memref<10000xf32, #tpu.memory_space<vmem>>, vector<16xf32>,
      tpu.vector_store_idx %arg7[%parallel_loop3A_24], %parallel_loop3A_28 {add = true} : memref<10112xf32, #tpu.memory_space<vmem>>[vector<16xi32>], vector<16xf32>,
    } {sc.loop_unroll_factor = 4 : i64, sc.parallel_access}
    %mul3A_18 = arith.constant 10112 : i32
    %mul3A_19 = arith.muli %add3A, %mul3A_18 : i32
    "tpu.region"() ({
      %run_scoped3A = tpu.sem_alloc : memref<!tpu.dma_semaphore, #tpu.memory_space<semaphore_mem>>
      %dma_start3A_20 = tpu.memref_slice %arg4[%mul3A_19] : memref<323584xf32, #tpu.memory_space<hbm>> -> memref<10112xf32, #tpu.memory_space<hbm>>
      %dma_start3A_21 = tpu.memref_slice %arg4[%mul3A_19] : memref<323584xf32, #tpu.memory_space<hbm>> -> memref<10112xf32, #tpu.memory_space<hbm>>
      tpu.enqueue_dma source(%arg7 : memref<10112xf32, #tpu.memory_space<vmem>>) target(%dma_start3A_21 : memref<10112xf32, #tpu.memory_space<hbm>>) target_semaphore(%run_scoped3A : memref<!tpu.dma_semaphore, #tpu.memory_space<semaphore_mem>>)
      %dma_wait3A_22 = tpu.memref_slice %arg4[%mul3A_19] : memref<323584xf32, #tpu.memory_space<hbm>> -> memref<10112xf32, #tpu.memory_space<hbm>>
      %dma_wait3A_23 = tpu.memref_slice %arg4[%mul3A_19] : memref<323584xf32, #tpu.memory_space<hbm>> -> memref<10112xf32, #tpu.memory_space<hbm>>
      tpu.wait_dma2 semaphore(%run_scoped3A : memref<!tpu.dma_semaphore, #tpu.memory_space<semaphore_mem>>) src(%arg7 : memref<10112xf32, #tpu.memory_space<vmem>>) dst(%dma_wait3A_23 : memref<10112xf32, #tpu.memory_space<hbm>>)
      tpu.yield
    }) : () -> ()
    return
  }
}

#map = affine_map<(d0, d1) -> (0)>
module attributes {stable_mosaic.version = 14 : i64} {
  func.func @body(%arg0: i32, %arg1: i32, %arg2: memref<320000xi32, #tpu.memory_space<hbm>>, %arg3: memref<320000xi32, #tpu.memory_space<hbm>>, %arg4: memref<320000xf32, #tpu.memory_space<hbm>>, %arg5: memref<10000xf32, #tpu.memory_space<hbm>>, %arg6: memref<323584xf32, #tpu.memory_space<hbm>>, %arg7: memref<10000xi32, #tpu.memory_space<vmem>>, %arg8: memref<10000xf32, #tpu.memory_space<vmem>>, %arg9: memref<10112xf32, #tpu.memory_space<vmem>>, %arg10: memref<!tpu.dma_semaphore, #tpu.memory_space<semaphore_mem>>, %arg11: memref<10000xi32, #tpu.memory_space<vmem>>, %arg12: memref<10000xf32, #tpu.memory_space<vmem>>) attributes {dimension_semantics = [#tpu.dimension_semantics<core_parallel>, #tpu.dimension_semantics<subcore_parallel>], iteration_bounds = array<i64: 2, 16>, scalar_prefetch = 0 : i64, scratch_operands = 6 : i64, tpu.core_type = #tpu.core_type<sc_vector_subcore>, window_params = [{transform_indices = #map}, {transform_indices = #map}, {transform_indices = #map}, {transform_indices = #map}, {transform_indices = #map}]} {
    %mul3A = arith.constant 2 : i32
    %mul3A_0 = arith.muli %arg1, %mul3A : i32
    %add3A = arith.addi %mul3A_0, %arg0 : i32
    %mul3A_1 = arith.constant 10000 : i32
    %mul3A_2 = arith.muli %add3A, %mul3A_1 : i32
    %dma_start3A = tpu.memref_slice %arg3[%mul3A_2] : memref<320000xi32, #tpu.memory_space<hbm>> -> memref<10000xi32, #tpu.memory_space<hbm>>
    %dma_start3A_3 = tpu.memref_slice %arg3[%mul3A_2] : memref<320000xi32, #tpu.memory_space<hbm>> -> memref<10000xi32, #tpu.memory_space<hbm>>
    tpu.enqueue_dma source(%dma_start3A_3 : memref<10000xi32, #tpu.memory_space<hbm>>) target(%arg7 : memref<10000xi32, #tpu.memory_space<vmem>>) target_semaphore(%arg10 : memref<!tpu.dma_semaphore, #tpu.memory_space<semaphore_mem>>)
    %dma_start3A_4 = tpu.memref_slice %arg4[%mul3A_2] : memref<320000xf32, #tpu.memory_space<hbm>> -> memref<10000xf32, #tpu.memory_space<hbm>>
    %dma_start3A_5 = tpu.memref_slice %arg4[%mul3A_2] : memref<320000xf32, #tpu.memory_space<hbm>> -> memref<10000xf32, #tpu.memory_space<hbm>>
    tpu.enqueue_dma source(%dma_start3A_5 : memref<10000xf32, #tpu.memory_space<hbm>>) target(%arg8 : memref<10000xf32, #tpu.memory_space<vmem>>) target_semaphore(%arg10 : memref<!tpu.dma_semaphore, #tpu.memory_space<semaphore_mem>>)
    %dma_start3A_6 = tpu.memref_slice %arg2[%mul3A_2] : memref<320000xi32, #tpu.memory_space<hbm>> -> memref<10000xi32, #tpu.memory_space<hbm>>
    %dma_start3A_7 = tpu.memref_slice %arg2[%mul3A_2] : memref<320000xi32, #tpu.memory_space<hbm>> -> memref<10000xi32, #tpu.memory_space<hbm>>
    tpu.enqueue_dma source(%dma_start3A_7 : memref<10000xi32, #tpu.memory_space<hbm>>) target(%arg11 : memref<10000xi32, #tpu.memory_space<vmem>>) target_semaphore(%arg10 : memref<!tpu.dma_semaphore, #tpu.memory_space<semaphore_mem>>)
    tpu.enqueue_dma source(%arg5 : memref<10000xf32, #tpu.memory_space<hbm>>) target(%arg12 : memref<10000xf32, #tpu.memory_space<vmem>>) target_semaphore(%arg10 : memref<!tpu.dma_semaphore, #tpu.memory_space<semaphore_mem>>)
    %parallel_loop3A = arith.constant 0 : i32
    %parallel_loop3A_8 = arith.constant 632 : i32
    %parallel_loop3A_9 = arith.constant 1 : i32
    scf.for %parallel_loop3A_26 = %parallel_loop3A to %parallel_loop3A_8 step %parallel_loop3A_9  : i32 {
      %parallel_loop3A_27 = arith.constant 0.000000e+00 : f32
      %parallel_loop3A_28 = vector.broadcast %parallel_loop3A_27 : f32 to vector<16xf32>
      %parallel_loop3A_29 = arith.constant 16 : i32
      %parallel_loop3A_30 = arith.muli %parallel_loop3A_26, %parallel_loop3A_29 : i32
      %parallel_loop3A_31 = arith.index_cast %parallel_loop3A_30 : i32 to index
      %parallel_loop3A_32 = tpu.vector_load %arg9[%parallel_loop3A_31] {strides = array<i32>} : memref<10112xf32, #tpu.memory_space<vmem>>, vector<16xf32>,
      tpu.vector_store %arg9[%parallel_loop3A_31], %parallel_loop3A_28 {strides = array<i32>} : memref<10112xf32, #tpu.memory_space<vmem>>, vector<16xf32>,
    } {sc.loop_unroll_factor = 8 : i64, sc.parallel_access}
    %dma_wait3A = arith.constant 0 : i32
    %dma_wait3A_10 = tpu.memref_slice %arg3[%dma_wait3A] : memref<320000xi32, #tpu.memory_space<hbm>> -> memref<10000xi32, #tpu.memory_space<hbm>>
    %dma_wait3A_11 = arith.constant 0 : i32
    %dma_wait3A_12 = tpu.memref_slice %arg3[%dma_wait3A_11] : memref<320000xi32, #tpu.memory_space<hbm>> -> memref<10000xi32, #tpu.memory_space<hbm>>
    tpu.wait_dma2 semaphore(%arg10 : memref<!tpu.dma_semaphore, #tpu.memory_space<semaphore_mem>>) src(%dma_wait3A_12 : memref<10000xi32, #tpu.memory_space<hbm>>) dst(%arg7 : memref<10000xi32, #tpu.memory_space<vmem>>)
    %dma_wait3A_13 = arith.constant 0 : i32
    %dma_wait3A_14 = tpu.memref_slice %arg4[%dma_wait3A_13] : memref<320000xf32, #tpu.memory_space<hbm>> -> memref<10000xf32, #tpu.memory_space<hbm>>
    %dma_wait3A_15 = arith.constant 0 : i32
    %dma_wait3A_16 = tpu.memref_slice %arg4[%dma_wait3A_15] : memref<320000xf32, #tpu.memory_space<hbm>> -> memref<10000xf32, #tpu.memory_space<hbm>>
    tpu.wait_dma2 semaphore(%arg10 : memref<!tpu.dma_semaphore, #tpu.memory_space<semaphore_mem>>) src(%dma_wait3A_16 : memref<10000xf32, #tpu.memory_space<hbm>>) dst(%arg8 : memref<10000xf32, #tpu.memory_space<vmem>>)
    %dma_wait3A_17 = arith.constant 0 : i32
    %dma_wait3A_18 = tpu.memref_slice %arg2[%dma_wait3A_17] : memref<320000xi32, #tpu.memory_space<hbm>> -> memref<10000xi32, #tpu.memory_space<hbm>>
    %dma_wait3A_19 = arith.constant 0 : i32
    %dma_wait3A_20 = tpu.memref_slice %arg2[%dma_wait3A_19] : memref<320000xi32, #tpu.memory_space<hbm>> -> memref<10000xi32, #tpu.memory_space<hbm>>
    tpu.wait_dma2 semaphore(%arg10 : memref<!tpu.dma_semaphore, #tpu.memory_space<semaphore_mem>>) src(%dma_wait3A_20 : memref<10000xi32, #tpu.memory_space<hbm>>) dst(%arg11 : memref<10000xi32, #tpu.memory_space<vmem>>)
    tpu.wait_dma2 semaphore(%arg10 : memref<!tpu.dma_semaphore, #tpu.memory_space<semaphore_mem>>) src(%arg5 : memref<10000xf32, #tpu.memory_space<hbm>>) dst(%arg12 : memref<10000xf32, #tpu.memory_space<vmem>>)
    %parallel_loop3A_21 = arith.constant 0 : i32
    %parallel_loop3A_22 = arith.constant 625 : i32
    %parallel_loop3A_23 = arith.constant 1 : i32
    scf.for %parallel_loop3A_26 = %parallel_loop3A_21 to %parallel_loop3A_22 step %parallel_loop3A_23  : i32 {
      %parallel_loop3A_27 = arith.constant 16 : i32
      %parallel_loop3A_28 = arith.muli %parallel_loop3A_26, %parallel_loop3A_27 : i32
      %parallel_loop3A_29 = arith.index_cast %parallel_loop3A_28 : i32 to index
      %parallel_loop3A_30 = tpu.vector_load %arg7[%parallel_loop3A_29] {strides = array<i32>} : memref<10000xi32, #tpu.memory_space<vmem>>, vector<16xi32>,
      %parallel_loop3A_31 = arith.constant 16 : i32
      %parallel_loop3A_32 = arith.muli %parallel_loop3A_26, %parallel_loop3A_31 : i32
      %parallel_loop3A_33 = arith.index_cast %parallel_loop3A_32 : i32 to index
      %parallel_loop3A_34 = tpu.vector_load %arg8[%parallel_loop3A_33] {strides = array<i32>} : memref<10000xf32, #tpu.memory_space<vmem>>, vector<16xf32>,
      %parallel_loop3A_35 = arith.constant 16 : i32
      %parallel_loop3A_36 = arith.muli %parallel_loop3A_26, %parallel_loop3A_35 : i32
      %parallel_loop3A_37 = arith.index_cast %parallel_loop3A_36 : i32 to index
      %parallel_loop3A_38 = tpu.vector_load %arg11[%parallel_loop3A_37] {strides = array<i32>} : memref<10000xi32, #tpu.memory_space<vmem>>, vector<16xi32>,
      %parallel_loop3A_39 = tpu.vector_load_idx %arg12[%parallel_loop3A_38] : memref<10000xf32, #tpu.memory_space<vmem>>[vector<16xi32>], vector<16xf32>,
      %parallel_loop3A_40 = arith.mulf %parallel_loop3A_34, %parallel_loop3A_39 : vector<16xf32>
      tpu.vector_store_idx %arg9[%parallel_loop3A_30], %parallel_loop3A_40 {add = true} : memref<10112xf32, #tpu.memory_space<vmem>>[vector<16xi32>], vector<16xf32>,
    } {sc.loop_unroll_factor = 4 : i64, sc.parallel_access}
    %mul3A_24 = arith.constant 10112 : i32
    %mul3A_25 = arith.muli %add3A, %mul3A_24 : i32
    "tpu.region"() ({
      %run_scoped3A = tpu.sem_alloc : memref<!tpu.dma_semaphore, #tpu.memory_space<semaphore_mem>>
      %dma_start3A_26 = tpu.memref_slice %arg6[%mul3A_25] : memref<323584xf32, #tpu.memory_space<hbm>> -> memref<10112xf32, #tpu.memory_space<hbm>>
      %dma_start3A_27 = tpu.memref_slice %arg6[%mul3A_25] : memref<323584xf32, #tpu.memory_space<hbm>> -> memref<10112xf32, #tpu.memory_space<hbm>>
      tpu.enqueue_dma source(%arg9 : memref<10112xf32, #tpu.memory_space<vmem>>) target(%dma_start3A_27 : memref<10112xf32, #tpu.memory_space<hbm>>) target_semaphore(%run_scoped3A : memref<!tpu.dma_semaphore, #tpu.memory_space<semaphore_mem>>)
      %dma_wait3A_28 = tpu.memref_slice %arg6[%mul3A_25] : memref<323584xf32, #tpu.memory_space<hbm>> -> memref<10112xf32, #tpu.memory_space<hbm>>
      %dma_wait3A_29 = tpu.memref_slice %arg6[%mul3A_25] : memref<323584xf32, #tpu.memory_space<hbm>> -> memref<10112xf32, #tpu.memory_space<hbm>>
      tpu.wait_dma2 semaphore(%run_scoped3A : memref<!tpu.dma_semaphore, #tpu.memory_space<semaphore_mem>>) src(%arg9 : memref<10112xf32, #tpu.memory_space<vmem>>) dst(%dma_wait3A_29 : memref<10112xf32, #tpu.memory_space<hbm>>)
      tpu.yield
    }) : () -> ()
    return
  }
}

#map = affine_map<(d0, d1) -> (0)>
module attributes {stable_mosaic.version = 14 : i64} {
  func.func @body(%arg0: i32, %arg1: i32, %arg2: memref<320000xi32, #tpu.memory_space<hbm>>, %arg3: memref<320000xi32, #tpu.memory_space<hbm>>, %arg4: memref<320000xf32, #tpu.memory_space<hbm>>, %arg5: memref<160000xf32, #tpu.memory_space<hbm>>, %arg6: memref<1294336xf32, #tpu.memory_space<hbm>>, %arg7: memref<40000xf32, #tpu.memory_space<vmem>>, %arg8: memref<40448xf32, #tpu.memory_space<vmem>>, %arg9: memref<4000xi32, #tpu.memory_space<vmem>>, %arg10: memref<4000xi32, #tpu.memory_space<vmem>>, %arg11: memref<4000xi32, #tpu.memory_space<vmem>>, %arg12: memref<4000xi32, #tpu.memory_space<vmem>>, %arg13: memref<4000xf32, #tpu.memory_space<vmem>>, %arg14: memref<4000xf32, #tpu.memory_space<vmem>>, %arg15: memref<!tpu.dma_semaphore, #tpu.memory_space<semaphore_mem>>, %arg16: memref<!tpu.dma_semaphore, #tpu.memory_space<semaphore_mem>>, %arg17: memref<!tpu.dma_semaphore, #tpu.memory_space<semaphore_mem>>) attributes {dimension_semantics = [#tpu.dimension_semantics<core_parallel>, #tpu.dimension_semantics<subcore_parallel>], iteration_bounds = array<i64: 2, 16>, scalar_prefetch = 0 : i64, scratch_operands = 11 : i64, tpu.core_type = #tpu.core_type<sc_vector_subcore>, window_params = [{transform_indices = #map}, {transform_indices = #map}, {transform_indices = #map}, {transform_indices = #map}, {transform_indices = #map}]} {
    %mul3A = arith.constant 2 : i32
    %mul3A_0 = arith.muli %arg1, %mul3A : i32
    %add3A = arith.addi %mul3A_0, %arg0 : i32
    %jit3A = arith.constant 4 : i32
    %eq3A = arith.constant 0 : i32
    %eq3A_1 = arith.cmpi eq, %jit3A, %eq3A : i32
    %jit3A_2 = arith.constant 1 : i32
    %select_n3A = arith.select %eq3A_1, %jit3A_2, %jit3A : i32
    %rem3A = arith.remsi %add3A, %select_n3A : i32
    %ne3A = arith.constant 0 : i32
    %ne3A_3 = arith.cmpi ne, %rem3A, %ne3A : i32
    %lt3A = arith.constant 0 : i32
    %lt3A_4 = arith.cmpi slt, %rem3A, %lt3A : i32
    %lt3A_5 = arith.constant 0 : i32
    %lt3A_6 = arith.cmpi slt, %select_n3A, %lt3A_5 : i32
    %ne3A_7 = arith.xori %lt3A_4, %lt3A_6 : i1
    %and3A = arith.andi %ne3A_7, %ne3A_3 : i1
    %add3A_8 = arith.addi %rem3A, %select_n3A : i32
    %select_n3A_9 = arith.select %and3A, %add3A_8, %rem3A : i32
    %jit3A_10 = arith.constant 4 : i32
    %div3A = arith.divsi %add3A, %jit3A_10 : i32
    %sign3A = arith.constant 0 : i32
    %sign3A_11 = arith.cmpi sgt, %add3A, %sign3A : i32
    %sign3A_12 = arith.extui %sign3A_11 : i1 to i32
    %sign3A_13 = arith.constant 0 : i32
    %sign3A_14 = arith.cmpi slt, %add3A, %sign3A_13 : i32
    %sign3A_15 = arith.extui %sign3A_14 : i1 to i32
    %sign3A_16 = arith.subi %sign3A_12, %sign3A_15 : i32
    %sign3A_17 = arith.constant 0 : i32
    %sign3A_18 = arith.cmpi sgt, %jit3A_10, %sign3A_17 : i32
    %sign3A_19 = arith.extui %sign3A_18 : i1 to i32
    %sign3A_20 = arith.constant 0 : i32
    %sign3A_21 = arith.cmpi slt, %jit3A_10, %sign3A_20 : i32
    %sign3A_22 = arith.extui %sign3A_21 : i1 to i32
    %sign3A_23 = arith.subi %sign3A_19, %sign3A_22 : i32
    %ne3A_24 = arith.cmpi ne, %sign3A_16, %sign3A_23 : i32
    %rem3A_25 = arith.remsi %add3A, %jit3A_10 : i32
    %ne3A_26 = arith.constant 0 : i32
    %ne3A_27 = arith.cmpi ne, %rem3A_25, %ne3A_26 : i32
    %and3A_28 = arith.andi %ne3A_24, %ne3A_27 : i1
    %sub3A = arith.constant 1 : i32
    %sub3A_29 = arith.subi %div3A, %sub3A : i32
    %select_n3A_30 = arith.select %and3A_28, %sub3A_29, %div3A : i32
    %mul3A_31 = arith.constant 10 : i32
    %mul3A_32 = arith.muli %select_n3A_30, %mul3A_31 : i32
    %add3A_33 = arith.constant 0 : i32
    %add3A_34 = arith.addi %mul3A_32, %add3A_33 : i32
    %mul3A_35 = arith.constant 4000 : i32
    %mul3A_36 = arith.muli %add3A_34, %mul3A_35 : i32
    %dma_start3A = tpu.memref_slice %arg2[%mul3A_36] : memref<320000xi32, #tpu.memory_space<hbm>> -> memref<4000xi32, #tpu.memory_space<hbm>>
    %dma_start3A_37 = tpu.memref_slice %arg2[%mul3A_36] : memref<320000xi32, #tpu.memory_space<hbm>> -> memref<4000xi32, #tpu.memory_space<hbm>>
    tpu.enqueue_dma source(%dma_start3A_37 : memref<4000xi32, #tpu.memory_space<hbm>>) target(%arg9 : memref<4000xi32, #tpu.memory_space<vmem>>) target_semaphore(%arg15 : memref<!tpu.dma_semaphore, #tpu.memory_space<semaphore_mem>>)
    %dma_start3A_38 = tpu.memref_slice %arg3[%mul3A_36] : memref<320000xi32, #tpu.memory_space<hbm>> -> memref<4000xi32, #tpu.memory_space<hbm>>
    %dma_start3A_39 = tpu.memref_slice %arg3[%mul3A_36] : memref<320000xi32, #tpu.memory_space<hbm>> -> memref<4000xi32, #tpu.memory_space<hbm>>
    tpu.enqueue_dma source(%dma_start3A_39 : memref<4000xi32, #tpu.memory_space<hbm>>) target(%arg11 : memref<4000xi32, #tpu.memory_space<vmem>>) target_semaphore(%arg15 : memref<!tpu.dma_semaphore, #tpu.memory_space<semaphore_mem>>)
    %dma_start3A_40 = tpu.memref_slice %arg4[%mul3A_36] : memref<320000xf32, #tpu.memory_space<hbm>> -> memref<4000xf32, #tpu.memory_space<hbm>>
    %dma_start3A_41 = tpu.memref_slice %arg4[%mul3A_36] : memref<320000xf32, #tpu.memory_space<hbm>> -> memref<4000xf32, #tpu.memory_space<hbm>>
    tpu.enqueue_dma source(%dma_start3A_41 : memref<4000xf32, #tpu.memory_space<hbm>>) target(%arg13 : memref<4000xf32, #tpu.memory_space<vmem>>) target_semaphore(%arg15 : memref<!tpu.dma_semaphore, #tpu.memory_space<semaphore_mem>>)
    %mul3A_42 = arith.constant 4 : i32
    %mul3A_43 = arith.muli %select_n3A_9, %mul3A_42 : i32
    %mul3A_44 = arith.constant 10000 : i32
    %mul3A_45 = arith.muli %mul3A_43, %mul3A_44 : i32
    %dma_start3A_46 = tpu.memref_slice %arg5[%mul3A_45] : memref<160000xf32, #tpu.memory_space<hbm>> -> memref<40000xf32, #tpu.memory_space<hbm>>
    %dma_start3A_47 = tpu.memref_slice %arg5[%mul3A_45] : memref<160000xf32, #tpu.memory_space<hbm>> -> memref<40000xf32, #tpu.memory_space<hbm>>
    tpu.enqueue_dma source(%dma_start3A_47 : memref<40000xf32, #tpu.memory_space<hbm>>) target(%arg7 : memref<40000xf32, #tpu.memory_space<vmem>>) target_semaphore(%arg17 : memref<!tpu.dma_semaphore, #tpu.memory_space<semaphore_mem>>)
    %parallel_loop3A = arith.constant 0 : i32
    %parallel_loop3A_48 = arith.constant 2528 : i32
    %parallel_loop3A_49 = arith.constant 1 : i32
    scf.for %parallel_loop3A_77 = %parallel_loop3A to %parallel_loop3A_48 step %parallel_loop3A_49  : i32 {
      %parallel_loop3A_78 = arith.constant 0.000000e+00 : f32
      %parallel_loop3A_79 = vector.broadcast %parallel_loop3A_78 : f32 to vector<16xf32>
      %parallel_loop3A_80 = arith.constant 16 : i32
      %parallel_loop3A_81 = arith.muli %parallel_loop3A_77, %parallel_loop3A_80 : i32
      %parallel_loop3A_82 = arith.index_cast %parallel_loop3A_81 : i32 to index
      %parallel_loop3A_83 = tpu.vector_load %arg8[%parallel_loop3A_82] {strides = array<i32>} : memref<40448xf32, #tpu.memory_space<vmem>>, vector<16xf32>,
      tpu.vector_store %arg8[%parallel_loop3A_82], %parallel_loop3A_79 {strides = array<i32>} : memref<40448xf32, #tpu.memory_space<vmem>>, vector<16xf32>,
    } {sc.loop_unroll_factor = 8 : i64, sc.parallel_access}
    %dma_wait3A = arith.constant 0 : i32
    %dma_wait3A_50 = tpu.memref_slice %arg5[%dma_wait3A] : memref<160000xf32, #tpu.memory_space<hbm>> -> memref<40000xf32, #tpu.memory_space<hbm>>
    %dma_wait3A_51 = arith.constant 0 : i32
    %dma_wait3A_52 = tpu.memref_slice %arg5[%dma_wait3A_51] : memref<160000xf32, #tpu.memory_space<hbm>> -> memref<40000xf32, #tpu.memory_space<hbm>>
    tpu.wait_dma2 semaphore(%arg17 : memref<!tpu.dma_semaphore, #tpu.memory_space<semaphore_mem>>) src(%dma_wait3A_52 : memref<40000xf32, #tpu.memory_space<hbm>>) dst(%arg7 : memref<40000xf32, #tpu.memory_space<vmem>>)
    %broadcast_in_dim3A = arith.constant 0 : i32
    %broadcast_in_dim3A_53 = vector.broadcast %broadcast_in_dim3A : i32 to vector<16xi32>
    %broadcast_in_dim3A_54 = arith.constant 10000 : i32
    %broadcast_in_dim3A_55 = vector.broadcast %broadcast_in_dim3A_54 : i32 to vector<16xi32>
    %broadcast_in_dim3A_56 = arith.constant 20000 : i32
    %broadcast_in_dim3A_57 = vector.broadcast %broadcast_in_dim3A_56 : i32 to vector<16xi32>
    %broadcast_in_dim3A_58 = arith.constant 30000 : i32
    %broadcast_in_dim3A_59 = vector.broadcast %broadcast_in_dim3A_58 : i32 to vector<16xi32>
    %broadcast_in_dim3A_60 = arith.constant 0 : i32
    %broadcast_in_dim3A_61 = vector.broadcast %broadcast_in_dim3A_60 : i32 to vector<16xi32>
    %broadcast_in_dim3A_62 = arith.constant 10112 : i32
    %broadcast_in_dim3A_63 = vector.broadcast %broadcast_in_dim3A_62 : i32 to vector<16xi32>
    %broadcast_in_dim3A_64 = arith.constant 20224 : i32
    %broadcast_in_dim3A_65 = vector.broadcast %broadcast_in_dim3A_64 : i32 to vector<16xi32>
    %broadcast_in_dim3A_66 = arith.constant 30336 : i32
    %broadcast_in_dim3A_67 = vector.broadcast %broadcast_in_dim3A_66 : i32 to vector<16xi32>
    %scan3A = arith.constant 0 : i32
    %scan3A_68 = arith.constant 0 : i32
    %scan3A_69 = arith.constant 5 : i32
    %scan3A_70 = arith.addi %scan3A_68, %scan3A_69 : i32
    %scan3A_71 = arith.constant 1 : i32
    scf.for %scan3A_77 = %scan3A_68 to %scan3A_70 step %scan3A_71  : i32 {
      %mul3A_78 = arith.constant 2 : i32
      %mul3A_79 = arith.muli %scan3A_77, %mul3A_78 : i32
      %add3A_80 = arith.constant 0 : i32
      %add3A_81 = arith.addi %mul3A_79, %add3A_80 : i32
      %dma_wait3A_82 = arith.constant 0 : i32
      %dma_wait3A_83 = tpu.memref_slice %arg2[%dma_wait3A_82] : memref<320000xi32, #tpu.memory_space<hbm>> -> memref<4000xi32, #tpu.memory_space<hbm>>
      %dma_wait3A_84 = arith.constant 0 : i32
      %dma_wait3A_85 = tpu.memref_slice %arg2[%dma_wait3A_84] : memref<320000xi32, #tpu.memory_space<hbm>> -> memref<4000xi32, #tpu.memory_space<hbm>>
      tpu.wait_dma2 semaphore(%arg15 : memref<!tpu.dma_semaphore, #tpu.memory_space<semaphore_mem>>) src(%dma_wait3A_85 : memref<4000xi32, #tpu.memory_space<hbm>>) dst(%arg9 : memref<4000xi32, #tpu.memory_space<vmem>>)
      %dma_wait3A_86 = arith.constant 0 : i32
      %dma_wait3A_87 = tpu.memref_slice %arg3[%dma_wait3A_86] : memref<320000xi32, #tpu.memory_space<hbm>> -> memref<4000xi32, #tpu.memory_space<hbm>>
      %dma_wait3A_88 = arith.constant 0 : i32
      %dma_wait3A_89 = tpu.memref_slice %arg3[%dma_wait3A_88] : memref<320000xi32, #tpu.memory_space<hbm>> -> memref<4000xi32, #tpu.memory_space<hbm>>
      tpu.wait_dma2 semaphore(%arg15 : memref<!tpu.dma_semaphore, #tpu.memory_space<semaphore_mem>>) src(%dma_wait3A_89 : memref<4000xi32, #tpu.memory_space<hbm>>) dst(%arg11 : memref<4000xi32, #tpu.memory_space<vmem>>)
      %dma_wait3A_90 = arith.constant 0 : i32
      %dma_wait3A_91 = tpu.memref_slice %arg4[%dma_wait3A_90] : memref<320000xf32, #tpu.memory_space<hbm>> -> memref<4000xf32, #tpu.memory_space<hbm>>
      %dma_wait3A_92 = arith.constant 0 : i32
      %dma_wait3A_93 = tpu.memref_slice %arg4[%dma_wait3A_92] : memref<320000xf32, #tpu.memory_space<hbm>> -> memref<4000xf32, #tpu.memory_space<hbm>>
      tpu.wait_dma2 semaphore(%arg15 : memref<!tpu.dma_semaphore, #tpu.memory_space<semaphore_mem>>) src(%dma_wait3A_93 : memref<4000xf32, #tpu.memory_space<hbm>>) dst(%arg13 : memref<4000xf32, #tpu.memory_space<vmem>>)
      %add3A_94 = arith.constant 1 : i32
      %add3A_95 = arith.addi %add3A_81, %add3A_94 : i32
      %lt3A_96 = arith.constant 10 : i32
      %lt3A_97 = arith.cmpi slt, %add3A_95, %lt3A_96 : i32
      %convert_element_type3A = arith.extui %lt3A_97 : i1 to i32
      %cond3A = arith.constant 0 : i32
      %cond3A_98 = arith.cmpi ne, %convert_element_type3A, %cond3A : i32
      scf.if %cond3A_98 {
        %add3A_128 = arith.constant 1 : i32
        %add3A_129 = arith.addi %add3A_81, %add3A_128 : i32
        %mul3A_130 = arith.constant 10 : i32
        %mul3A_131 = arith.muli %select_n3A_30, %mul3A_130 : i32
        %add3A_132 = arith.addi %mul3A_131, %add3A_129 : i32
        %mul3A_133 = arith.constant 4000 : i32
        %mul3A_134 = arith.muli %add3A_132, %mul3A_133 : i32
        %dma_start3A_135 = tpu.memref_slice %arg2[%mul3A_134] : memref<320000xi32, #tpu.memory_space<hbm>> -> memref<4000xi32, #tpu.memory_space<hbm>>
        %dma_start3A_136 = tpu.memref_slice %arg2[%mul3A_134] : memref<320000xi32, #tpu.memory_space<hbm>> -> memref<4000xi32, #tpu.memory_space<hbm>>
        tpu.enqueue_dma source(%dma_start3A_136 : memref<4000xi32, #tpu.memory_space<hbm>>) target(%arg10 : memref<4000xi32, #tpu.memory_space<vmem>>) target_semaphore(%arg16 : memref<!tpu.dma_semaphore, #tpu.memory_space<semaphore_mem>>)
        %dma_start3A_137 = tpu.memref_slice %arg3[%mul3A_134] : memref<320000xi32, #tpu.memory_space<hbm>> -> memref<4000xi32, #tpu.memory_space<hbm>>
        %dma_start3A_138 = tpu.memref_slice %arg3[%mul3A_134] : memref<320000xi32, #tpu.memory_space<hbm>> -> memref<4000xi32, #tpu.memory_space<hbm>>
        tpu.enqueue_dma source(%dma_start3A_138 : memref<4000xi32, #tpu.memory_space<hbm>>) target(%arg12 : memref<4000xi32, #tpu.memory_space<vmem>>) target_semaphore(%arg16 : memref<!tpu.dma_semaphore, #tpu.memory_space<semaphore_mem>>)
        %dma_start3A_139 = tpu.memref_slice %arg4[%mul3A_134] : memref<320000xf32, #tpu.memory_space<hbm>> -> memref<4000xf32, #tpu.memory_space<hbm>>
        %dma_start3A_140 = tpu.memref_slice %arg4[%mul3A_134] : memref<320000xf32, #tpu.memory_space<hbm>> -> memref<4000xf32, #tpu.memory_space<hbm>>
        tpu.enqueue_dma source(%dma_start3A_140 : memref<4000xf32, #tpu.memory_space<hbm>>) target(%arg14 : memref<4000xf32, #tpu.memory_space<vmem>>) target_semaphore(%arg16 : memref<!tpu.dma_semaphore, #tpu.memory_space<semaphore_mem>>)
      } else {
      }
      %parallel_loop3A_99 = arith.constant 0 : i32
      %parallel_loop3A_100 = arith.constant 250 : i32
      %parallel_loop3A_101 = arith.constant 1 : i32
      scf.for %parallel_loop3A_128 = %parallel_loop3A_99 to %parallel_loop3A_100 step %parallel_loop3A_101  : i32 {
        %parallel_loop3A_129 = arith.constant 16 : i32
        %parallel_loop3A_130 = arith.muli %parallel_loop3A_128, %parallel_loop3A_129 : i32
        %parallel_loop3A_131 = arith.index_cast %parallel_loop3A_130 : i32 to index
        %parallel_loop3A_132 = tpu.vector_load %arg9[%parallel_loop3A_131] {strides = array<i32>} : memref<4000xi32, #tpu.memory_space<vmem>>, vector<16xi32>,
        %parallel_loop3A_133 = arith.constant 16 : i32
        %parallel_loop3A_134 = arith.muli %parallel_loop3A_128, %parallel_loop3A_133 : i32
        %parallel_loop3A_135 = arith.index_cast %parallel_loop3A_134 : i32 to index
        %parallel_loop3A_136 = tpu.vector_load %arg11[%parallel_loop3A_135] {strides = array<i32>} : memref<4000xi32, #tpu.memory_space<vmem>>, vector<16xi32>,
        %parallel_loop3A_137 = arith.constant 16 : i32
        %parallel_loop3A_138 = arith.muli %parallel_loop3A_128, %parallel_loop3A_137 : i32
        %parallel_loop3A_139 = arith.index_cast %parallel_loop3A_138 : i32 to index
        %parallel_loop3A_140 = tpu.vector_load %arg13[%parallel_loop3A_139] {strides = array<i32>} : memref<4000xf32, #tpu.memory_space<vmem>>, vector<16xf32>,
        %parallel_loop3A_141 = arith.addi %parallel_loop3A_132, %broadcast_in_dim3A_53 : vector<16xi32>
        %parallel_loop3A_142 = tpu.vector_load_idx %arg7[%parallel_loop3A_141] : memref<40000xf32, #tpu.memory_space<vmem>>[vector<16xi32>], vector<16xf32>,
        %parallel_loop3A_143 = arith.addi %parallel_loop3A_136, %broadcast_in_dim3A_61 : vector<16xi32>
        %parallel_loop3A_144 = arith.mulf %parallel_loop3A_142, %parallel_loop3A_140 : vector<16xf32>
        tpu.vector_store_idx %arg8[%parallel_loop3A_143], %parallel_loop3A_144 {add = true} : memref<40448xf32, #tpu.memory_space<vmem>>[vector<16xi32>], vector<16xf32>,
        %parallel_loop3A_145 = arith.addi %parallel_loop3A_132, %broadcast_in_dim3A_55 : vector<16xi32>
        %parallel_loop3A_146 = tpu.vector_load_idx %arg7[%parallel_loop3A_145] : memref<40000xf32, #tpu.memory_space<vmem>>[vector<16xi32>], vector<16xf32>,
        %parallel_loop3A_147 = arith.addi %parallel_loop3A_136, %broadcast_in_dim3A_63 : vector<16xi32>
        %parallel_loop3A_148 = arith.mulf %parallel_loop3A_146, %parallel_loop3A_140 : vector<16xf32>
        tpu.vector_store_idx %arg8[%parallel_loop3A_147], %parallel_loop3A_148 {add = true} : memref<40448xf32, #tpu.memory_space<vmem>>[vector<16xi32>], vector<16xf32>,
        %parallel_loop3A_149 = arith.addi %parallel_loop3A_132, %broadcast_in_dim3A_57 : vector<16xi32>
        %parallel_loop3A_150 = tpu.vector_load_idx %arg7[%parallel_loop3A_149] : memref<40000xf32, #tpu.memory_space<vmem>>[vector<16xi32>], vector<16xf32>,
        %parallel_loop3A_151 = arith.addi %parallel_loop3A_136, %broadcast_in_dim3A_65 : vector<16xi32>
        %parallel_loop3A_152 = arith.mulf %parallel_loop3A_150, %parallel_loop3A_140 : vector<16xf32>
        tpu.vector_store_idx %arg8[%parallel_loop3A_151], %parallel_loop3A_152 {add = true} : memref<40448xf32, #tpu.memory_space<vmem>>[vector<16xi32>], vector<16xf32>,
        %parallel_loop3A_153 = arith.addi %parallel_loop3A_132, %broadcast_in_dim3A_59 : vector<16xi32>
        %parallel_loop3A_154 = tpu.vector_load_idx %arg7[%parallel_loop3A_153] : memref<40000xf32, #tpu.memory_space<vmem>>[vector<16xi32>], vector<16xf32>,
        %parallel_loop3A_155 = arith.addi %parallel_loop3A_136, %broadcast_in_dim3A_67 : vector<16xi32>
        %parallel_loop3A_156 = arith.mulf %parallel_loop3A_154, %parallel_loop3A_140 : vector<16xf32>
        tpu.vector_store_idx %arg8[%parallel_loop3A_155], %parallel_loop3A_156 {add = true} : memref<40448xf32, #tpu.memory_space<vmem>>[vector<16xi32>], vector<16xf32>,
      } {sc.loop_unroll_factor = 4 : i64, sc.parallel_access}
      %mul3A_102 = arith.constant 2 : i32
      %mul3A_103 = arith.muli %scan3A_77, %mul3A_102 : i32
      %add3A_104 = arith.constant 1 : i32
      %add3A_105 = arith.addi %mul3A_103, %add3A_104 : i32
      %dma_wait3A_106 = arith.constant 0 : i32
      %dma_wait3A_107 = tpu.memref_slice %arg2[%dma_wait3A_106] : memref<320000xi32, #tpu.memory_space<hbm>> -> memref<4000xi32, #tpu.memory_space<hbm>>
      %dma_wait3A_108 = arith.constant 0 : i32
      %dma_wait3A_109 = tpu.memref_slice %arg2[%dma_wait3A_108] : memref<320000xi32, #tpu.memory_space<hbm>> -> memref<4000xi32, #tpu.memory_space<hbm>>
      tpu.wait_dma2 semaphore(%arg16 : memref<!tpu.dma_semaphore, #tpu.memory_space<semaphore_mem>>) src(%dma_wait3A_109 : memref<4000xi32, #tpu.memory_space<hbm>>) dst(%arg10 : memref<4000xi32, #tpu.memory_space<vmem>>)
      %dma_wait3A_110 = arith.constant 0 : i32
      %dma_wait3A_111 = tpu.memref_slice %arg3[%dma_wait3A_110] : memref<320000xi32, #tpu.memory_space<hbm>> -> memref<4000xi32, #tpu.memory_space<hbm>>
      %dma_wait3A_112 = arith.constant 0 : i32
      %dma_wait3A_113 = tpu.memref_slice %arg3[%dma_wait3A_112] : memref<320000xi32, #tpu.memory_space<hbm>> -> memref<4000xi32, #tpu.memory_space<hbm>>
      tpu.wait_dma2 semaphore(%arg16 : memref<!tpu.dma_semaphore, #tpu.memory_space<semaphore_mem>>) src(%dma_wait3A_113 : memref<4000xi32, #tpu.memory_space<hbm>>) dst(%arg12 : memref<4000xi32, #tpu.memory_space<vmem>>)
      %dma_wait3A_114 = arith.constant 0 : i32
      %dma_wait3A_115 = tpu.memref_slice %arg4[%dma_wait3A_114] : memref<320000xf32, #tpu.memory_space<hbm>> -> memref<4000xf32, #tpu.memory_space<hbm>>
      %dma_wait3A_116 = arith.constant 0 : i32
      %dma_wait3A_117 = tpu.memref_slice %arg4[%dma_wait3A_116] : memref<320000xf32, #tpu.memory_space<hbm>> -> memref<4000xf32, #tpu.memory_space<hbm>>
      tpu.wait_dma2 semaphore(%arg16 : memref<!tpu.dma_semaphore, #tpu.memory_space<semaphore_mem>>) src(%dma_wait3A_117 : memref<4000xf32, #tpu.memory_space<hbm>>) dst(%arg14 : memref<4000xf32, #tpu.memory_space<vmem>>)
      %add3A_118 = arith.constant 1 : i32
      %add3A_119 = arith.addi %add3A_105, %add3A_118 : i32
      %lt3A_120 = arith.constant 10 : i32
      %lt3A_121 = arith.cmpi slt, %add3A_119, %lt3A_120 : i32
      %convert_element_type3A_122 = arith.extui %lt3A_121 : i1 to i32
      %cond3A_123 = arith.constant 0 : i32
      %cond3A_124 = arith.cmpi ne, %convert_element_type3A_122, %cond3A_123 : i32
      scf.if %cond3A_124 {
        %add3A_128 = arith.constant 1 : i32
        %add3A_129 = arith.addi %add3A_105, %add3A_128 : i32
        %mul3A_130 = arith.constant 10 : i32
        %mul3A_131 = arith.muli %select_n3A_30, %mul3A_130 : i32
        %add3A_132 = arith.addi %mul3A_131, %add3A_129 : i32
        %mul3A_133 = arith.constant 4000 : i32
        %mul3A_134 = arith.muli %add3A_132, %mul3A_133 : i32
        %dma_start3A_135 = tpu.memref_slice %arg2[%mul3A_134] : memref<320000xi32, #tpu.memory_space<hbm>> -> memref<4000xi32, #tpu.memory_space<hbm>>
        %dma_start3A_136 = tpu.memref_slice %arg2[%mul3A_134] : memref<320000xi32, #tpu.memory_space<hbm>> -> memref<4000xi32, #tpu.memory_space<hbm>>
        tpu.enqueue_dma source(%dma_start3A_136 : memref<4000xi32, #tpu.memory_space<hbm>>) target(%arg9 : memref<4000xi32, #tpu.memory_space<vmem>>) target_semaphore(%arg15 : memref<!tpu.dma_semaphore, #tpu.memory_space<semaphore_mem>>)
        %dma_start3A_137 = tpu.memref_slice %arg3[%mul3A_134] : memref<320000xi32, #tpu.memory_space<hbm>> -> memref<4000xi32, #tpu.memory_space<hbm>>
        %dma_start3A_138 = tpu.memref_slice %arg3[%mul3A_134] : memref<320000xi32, #tpu.memory_space<hbm>> -> memref<4000xi32, #tpu.memory_space<hbm>>
        tpu.enqueue_dma source(%dma_start3A_138 : memref<4000xi32, #tpu.memory_space<hbm>>) target(%arg11 : memref<4000xi32, #tpu.memory_space<vmem>>) target_semaphore(%arg15 : memref<!tpu.dma_semaphore, #tpu.memory_space<semaphore_mem>>)
        %dma_start3A_139 = tpu.memref_slice %arg4[%mul3A_134] : memref<320000xf32, #tpu.memory_space<hbm>> -> memref<4000xf32, #tpu.memory_space<hbm>>
        %dma_start3A_140 = tpu.memref_slice %arg4[%mul3A_134] : memref<320000xf32, #tpu.memory_space<hbm>> -> memref<4000xf32, #tpu.memory_space<hbm>>
        tpu.enqueue_dma source(%dma_start3A_140 : memref<4000xf32, #tpu.memory_space<hbm>>) target(%arg13 : memref<4000xf32, #tpu.memory_space<vmem>>) target_semaphore(%arg15 : memref<!tpu.dma_semaphore, #tpu.memory_space<semaphore_mem>>)
      } else {
      }
      %parallel_loop3A_125 = arith.constant 0 : i32
      %parallel_loop3A_126 = arith.constant 250 : i32
      %parallel_loop3A_127 = arith.constant 1 : i32
      scf.for %parallel_loop3A_128 = %parallel_loop3A_125 to %parallel_loop3A_126 step %parallel_loop3A_127  : i32 {
        %parallel_loop3A_129 = arith.constant 16 : i32
        %parallel_loop3A_130 = arith.muli %parallel_loop3A_128, %parallel_loop3A_129 : i32
        %parallel_loop3A_131 = arith.index_cast %parallel_loop3A_130 : i32 to index
        %parallel_loop3A_132 = tpu.vector_load %arg10[%parallel_loop3A_131] {strides = array<i32>} : memref<4000xi32, #tpu.memory_space<vmem>>, vector<16xi32>,
        %parallel_loop3A_133 = arith.constant 16 : i32
        %parallel_loop3A_134 = arith.muli %parallel_loop3A_128, %parallel_loop3A_133 : i32
        %parallel_loop3A_135 = arith.index_cast %parallel_loop3A_134 : i32 to index
        %parallel_loop3A_136 = tpu.vector_load %arg12[%parallel_loop3A_135] {strides = array<i32>} : memref<4000xi32, #tpu.memory_space<vmem>>, vector<16xi32>,
        %parallel_loop3A_137 = arith.constant 16 : i32
        %parallel_loop3A_138 = arith.muli %parallel_loop3A_128, %parallel_loop3A_137 : i32
        %parallel_loop3A_139 = arith.index_cast %parallel_loop3A_138 : i32 to index
        %parallel_loop3A_140 = tpu.vector_load %arg14[%parallel_loop3A_139] {strides = array<i32>} : memref<4000xf32, #tpu.memory_space<vmem>>, vector<16xf32>,
        %parallel_loop3A_141 = arith.addi %parallel_loop3A_132, %broadcast_in_dim3A_53 : vector<16xi32>
        %parallel_loop3A_142 = tpu.vector_load_idx %arg7[%parallel_loop3A_141] : memref<40000xf32, #tpu.memory_space<vmem>>[vector<16xi32>], vector<16xf32>,
        %parallel_loop3A_143 = arith.addi %parallel_loop3A_136, %broadcast_in_dim3A_61 : vector<16xi32>
        %parallel_loop3A_144 = arith.mulf %parallel_loop3A_142, %parallel_loop3A_140 : vector<16xf32>
        tpu.vector_store_idx %arg8[%parallel_loop3A_143], %parallel_loop3A_144 {add = true} : memref<40448xf32, #tpu.memory_space<vmem>>[vector<16xi32>], vector<16xf32>,
        %parallel_loop3A_145 = arith.addi %parallel_loop3A_132, %broadcast_in_dim3A_55 : vector<16xi32>
        %parallel_loop3A_146 = tpu.vector_load_idx %arg7[%parallel_loop3A_145] : memref<40000xf32, #tpu.memory_space<vmem>>[vector<16xi32>], vector<16xf32>,
        %parallel_loop3A_147 = arith.addi %parallel_loop3A_136, %broadcast_in_dim3A_63 : vector<16xi32>
        %parallel_loop3A_148 = arith.mulf %parallel_loop3A_146, %parallel_loop3A_140 : vector<16xf32>
        tpu.vector_store_idx %arg8[%parallel_loop3A_147], %parallel_loop3A_148 {add = true} : memref<40448xf32, #tpu.memory_space<vmem>>[vector<16xi32>], vector<16xf32>,
        %parallel_loop3A_149 = arith.addi %parallel_loop3A_132, %broadcast_in_dim3A_57 : vector<16xi32>
        %parallel_loop3A_150 = tpu.vector_load_idx %arg7[%parallel_loop3A_149] : memref<40000xf32, #tpu.memory_space<vmem>>[vector<16xi32>], vector<16xf32>,
        %parallel_loop3A_151 = arith.addi %parallel_loop3A_136, %broadcast_in_dim3A_65 : vector<16xi32>
        %parallel_loop3A_152 = arith.mulf %parallel_loop3A_150, %parallel_loop3A_140 : vector<16xf32>
        tpu.vector_store_idx %arg8[%parallel_loop3A_151], %parallel_loop3A_152 {add = true} : memref<40448xf32, #tpu.memory_space<vmem>>[vector<16xi32>], vector<16xf32>,
        %parallel_loop3A_153 = arith.addi %parallel_loop3A_132, %broadcast_in_dim3A_59 : vector<16xi32>
        %parallel_loop3A_154 = tpu.vector_load_idx %arg7[%parallel_loop3A_153] : memref<40000xf32, #tpu.memory_space<vmem>>[vector<16xi32>], vector<16xf32>,
        %parallel_loop3A_155 = arith.addi %parallel_loop3A_136, %broadcast_in_dim3A_67 : vector<16xi32>
        %parallel_loop3A_156 = arith.mulf %parallel_loop3A_154, %parallel_loop3A_140 : vector<16xf32>
        tpu.vector_store_idx %arg8[%parallel_loop3A_155], %parallel_loop3A_156 {add = true} : memref<40448xf32, #tpu.memory_space<vmem>>[vector<16xi32>], vector<16xf32>,
      } {sc.loop_unroll_factor = 4 : i64, sc.parallel_access}
    }
    %scan3A_72 = arith.constant 5 : i32
    %mul3A_73 = arith.constant 4 : i32
    %mul3A_74 = arith.muli %add3A, %mul3A_73 : i32
    %mul3A_75 = arith.constant 10112 : i32
    %mul3A_76 = arith.muli %mul3A_74, %mul3A_75 : i32
    "tpu.region"() ({
      %run_scoped3A = tpu.sem_alloc : memref<!tpu.dma_semaphore, #tpu.memory_space<semaphore_mem>>
      %dma_start3A_77 = tpu.memref_slice %arg6[%mul3A_76] : memref<1294336xf32, #tpu.memory_space<hbm>> -> memref<40448xf32, #tpu.memory_space<hbm>>
      %dma_start3A_78 = tpu.memref_slice %arg6[%mul3A_76] : memref<1294336xf32, #tpu.memory_space<hbm>> -> memref<40448xf32, #tpu.memory_space<hbm>>
      tpu.enqueue_dma source(%arg8 : memref<40448xf32, #tpu.memory_space<vmem>>) target(%dma_start3A_78 : memref<40448xf32, #tpu.memory_space<hbm>>) target_semaphore(%run_scoped3A : memref<!tpu.dma_semaphore, #tpu.memory_space<semaphore_mem>>)
      %dma_wait3A_79 = tpu.memref_slice %arg6[%mul3A_76] : memref<1294336xf32, #tpu.memory_space<hbm>> -> memref<40448xf32, #tpu.memory_space<hbm>>
      %dma_wait3A_80 = tpu.memref_slice %arg6[%mul3A_76] : memref<1294336xf32, #tpu.memory_space<hbm>> -> memref<40448xf32, #tpu.memory_space<hbm>>
      tpu.wait_dma2 semaphore(%run_scoped3A : memref<!tpu.dma_semaphore, #tpu.memory_space<semaphore_mem>>) src(%arg8 : memref<40448xf32, #tpu.memory_space<vmem>>) dst(%dma_wait3A_80 : memref<40448xf32, #tpu.memory_space<hbm>>)
      tpu.yield
    }) : () -> ()
    return
  }
}

module attributes {stable_mosaic.version = 14 : i64} {
  func.func @body(%arg0: memref<2x320000xi32, #tpu.memory_space<vmem>>, %arg1: memref<320000xi32, #tpu.memory_space<vmem>>, %arg2: memref<320000xi32, #tpu.memory_space<vmem>>) attributes {dimension_semantics = [], scalar_prefetch = 0 : i64, scratch_operands = 0 : i64, tpu.core_type = #tpu.core_type<tc>} {
    %get3A = arith.constant 0 : index
    %get3A_0 = arith.constant 0 : index
    %get3A_1 = vector.load %arg0[%get3A, %get3A_0] : memref<2x320000xi32, #tpu.memory_space<vmem>>, vector<2x320000xi32>
    %slice3A = vector.extract_strided_slice %get3A_1 {offsets = [0, 0], sizes = [1, 320000], strides = [1, 1]} : vector<2x320000xi32> to vector<1x320000xi32>
    %squeeze3A = vector.shape_cast %slice3A : vector<1x320000xi32> to vector<320000xi32>
    %swap3A = arith.constant 0 : index
    %swap3A_2 = vector.load %arg1[%swap3A] : memref<320000xi32, #tpu.memory_space<vmem>>, vector<320000xi32>
    tpu.vector_store %arg1[%swap3A], %squeeze3A {strides = array<i32>} : memref<320000xi32, #tpu.memory_space<vmem>>, vector<320000xi32>,
    %slice3A_3 = vector.extract_strided_slice %get3A_1 {offsets = [1, 0], sizes = [1, 320000], strides = [1, 1]} : vector<2x320000xi32> to vector<1x320000xi32>
    %squeeze3A_4 = vector.shape_cast %slice3A_3 : vector<1x320000xi32> to vector<320000xi32>
    %swap3A_5 = arith.constant 0 : index
    %swap3A_6 = vector.load %arg2[%swap3A_5] : memref<320000xi32, #tpu.memory_space<vmem>>, vector<320000xi32>
    tpu.vector_store %arg2[%swap3A_5], %squeeze3A_4 {strides = array<i32>} : memref<320000xi32, #tpu.memory_space<vmem>>, vector<320000xi32>,
    return
  }
}

module attributes {stable_mosaic.version = 14 : i64} {
  func.func @body(%arg0: memref<323584xf32, #tpu.memory_space<vmem>>, %arg1: memref<128x16xf32, #tpu.memory_space<vmem>>, %arg2: memref<10000x128xf32, #tpu.memory_space<vmem>>, %arg3: memref<10000xf32, #tpu.memory_space<vmem>>, %arg4: memref<160000xf32, #tpu.memory_space<vmem>>) attributes {dimension_semantics = [], scalar_prefetch = 0 : i64, scratch_operands = 0 : i64, tpu.core_type = #tpu.core_type<tc>} {
    %get3A = arith.constant 0 : index
    %get3A_0 = vector.load %arg0[%get3A] : memref<323584xf32, #tpu.memory_space<vmem>>, vector<323584xf32>
    %broadcast_in_dim3A = arith.constant 1.000000e+00 : f32
    %broadcast_in_dim3A_1 = vector.broadcast %broadcast_in_dim3A : f32 to vector<10000xf32>
    %slice3A = vector.extract_strided_slice %get3A_0 {offsets = [0], sizes = [10000], strides = [1]} : vector<323584xf32> to vector<10000xf32>
    %add3A = arith.addf %broadcast_in_dim3A_1, %slice3A : vector<10000xf32>
    %slice3A_2 = vector.extract_strided_slice %get3A_0 {offsets = [10112], sizes = [10000], strides = [1]} : vector<323584xf32> to vector<10000xf32>
    %add3A_3 = arith.addf %add3A, %slice3A_2 : vector<10000xf32>
    %slice3A_4 = vector.extract_strided_slice %get3A_0 {offsets = [20224], sizes = [10000], strides = [1]} : vector<323584xf32> to vector<10000xf32>
    %add3A_5 = arith.addf %add3A_3, %slice3A_4 : vector<10000xf32>
    %slice3A_6 = vector.extract_strided_slice %get3A_0 {offsets = [30336], sizes = [10000], strides = [1]} : vector<323584xf32> to vector<10000xf32>
    %add3A_7 = arith.addf %add3A_5, %slice3A_6 : vector<10000xf32>
    %slice3A_8 = vector.extract_strided_slice %get3A_0 {offsets = [40448], sizes = [10000], strides = [1]} : vector<323584xf32> to vector<10000xf32>
    %add3A_9 = arith.addf %add3A_7, %slice3A_8 : vector<10000xf32>
    %slice3A_10 = vector.extract_strided_slice %get3A_0 {offsets = [50560], sizes = [10000], strides = [1]} : vector<323584xf32> to vector<10000xf32>
    %add3A_11 = arith.addf %add3A_9, %slice3A_10 : vector<10000xf32>
    %slice3A_12 = vector.extract_strided_slice %get3A_0 {offsets = [60672], sizes = [10000], strides = [1]} : vector<323584xf32> to vector<10000xf32>
    %add3A_13 = arith.addf %add3A_11, %slice3A_12 : vector<10000xf32>
    %slice3A_14 = vector.extract_strided_slice %get3A_0 {offsets = [70784], sizes = [10000], strides = [1]} : vector<323584xf32> to vector<10000xf32>
    %add3A_15 = arith.addf %add3A_13, %slice3A_14 : vector<10000xf32>
    %slice3A_16 = vector.extract_strided_slice %get3A_0 {offsets = [80896], sizes = [10000], strides = [1]} : vector<323584xf32> to vector<10000xf32>
    %add3A_17 = arith.addf %add3A_15, %slice3A_16 : vector<10000xf32>
    %slice3A_18 = vector.extract_strided_slice %get3A_0 {offsets = [91008], sizes = [10000], strides = [1]} : vector<323584xf32> to vector<10000xf32>
    %add3A_19 = arith.addf %add3A_17, %slice3A_18 : vector<10000xf32>
    %slice3A_20 = vector.extract_strided_slice %get3A_0 {offsets = [101120], sizes = [10000], strides = [1]} : vector<323584xf32> to vector<10000xf32>
    %add3A_21 = arith.addf %add3A_19, %slice3A_20 : vector<10000xf32>
    %slice3A_22 = vector.extract_strided_slice %get3A_0 {offsets = [111232], sizes = [10000], strides = [1]} : vector<323584xf32> to vector<10000xf32>
    %add3A_23 = arith.addf %add3A_21, %slice3A_22 : vector<10000xf32>
    %slice3A_24 = vector.extract_strided_slice %get3A_0 {offsets = [121344], sizes = [10000], strides = [1]} : vector<323584xf32> to vector<10000xf32>
    %add3A_25 = arith.addf %add3A_23, %slice3A_24 : vector<10000xf32>
    %slice3A_26 = vector.extract_strided_slice %get3A_0 {offsets = [131456], sizes = [10000], strides = [1]} : vector<323584xf32> to vector<10000xf32>
    %add3A_27 = arith.addf %add3A_25, %slice3A_26 : vector<10000xf32>
    %slice3A_28 = vector.extract_strided_slice %get3A_0 {offsets = [141568], sizes = [10000], strides = [1]} : vector<323584xf32> to vector<10000xf32>
    %add3A_29 = arith.addf %add3A_27, %slice3A_28 : vector<10000xf32>
    %slice3A_30 = vector.extract_strided_slice %get3A_0 {offsets = [151680], sizes = [10000], strides = [1]} : vector<323584xf32> to vector<10000xf32>
    %add3A_31 = arith.addf %add3A_29, %slice3A_30 : vector<10000xf32>
    %slice3A_32 = vector.extract_strided_slice %get3A_0 {offsets = [161792], sizes = [10000], strides = [1]} : vector<323584xf32> to vector<10000xf32>
    %add3A_33 = arith.addf %add3A_31, %slice3A_32 : vector<10000xf32>
    %slice3A_34 = vector.extract_strided_slice %get3A_0 {offsets = [171904], sizes = [10000], strides = [1]} : vector<323584xf32> to vector<10000xf32>
    %add3A_35 = arith.addf %add3A_33, %slice3A_34 : vector<10000xf32>
    %slice3A_36 = vector.extract_strided_slice %get3A_0 {offsets = [182016], sizes = [10000], strides = [1]} : vector<323584xf32> to vector<10000xf32>
    %add3A_37 = arith.addf %add3A_35, %slice3A_36 : vector<10000xf32>
    %slice3A_38 = vector.extract_strided_slice %get3A_0 {offsets = [192128], sizes = [10000], strides = [1]} : vector<323584xf32> to vector<10000xf32>
    %add3A_39 = arith.addf %add3A_37, %slice3A_38 : vector<10000xf32>
    %slice3A_40 = vector.extract_strided_slice %get3A_0 {offsets = [202240], sizes = [10000], strides = [1]} : vector<323584xf32> to vector<10000xf32>
    %add3A_41 = arith.addf %add3A_39, %slice3A_40 : vector<10000xf32>
    %slice3A_42 = vector.extract_strided_slice %get3A_0 {offsets = [212352], sizes = [10000], strides = [1]} : vector<323584xf32> to vector<10000xf32>
    %add3A_43 = arith.addf %add3A_41, %slice3A_42 : vector<10000xf32>
    %slice3A_44 = vector.extract_strided_slice %get3A_0 {offsets = [222464], sizes = [10000], strides = [1]} : vector<323584xf32> to vector<10000xf32>
    %add3A_45 = arith.addf %add3A_43, %slice3A_44 : vector<10000xf32>
    %slice3A_46 = vector.extract_strided_slice %get3A_0 {offsets = [232576], sizes = [10000], strides = [1]} : vector<323584xf32> to vector<10000xf32>
    %add3A_47 = arith.addf %add3A_45, %slice3A_46 : vector<10000xf32>
    %slice3A_48 = vector.extract_strided_slice %get3A_0 {offsets = [242688], sizes = [10000], strides = [1]} : vector<323584xf32> to vector<10000xf32>
    %add3A_49 = arith.addf %add3A_47, %slice3A_48 : vector<10000xf32>
    %slice3A_50 = vector.extract_strided_slice %get3A_0 {offsets = [252800], sizes = [10000], strides = [1]} : vector<323584xf32> to vector<10000xf32>
    %add3A_51 = arith.addf %add3A_49, %slice3A_50 : vector<10000xf32>
    %slice3A_52 = vector.extract_strided_slice %get3A_0 {offsets = [262912], sizes = [10000], strides = [1]} : vector<323584xf32> to vector<10000xf32>
    %add3A_53 = arith.addf %add3A_51, %slice3A_52 : vector<10000xf32>
    %slice3A_54 = vector.extract_strided_slice %get3A_0 {offsets = [273024], sizes = [10000], strides = [1]} : vector<323584xf32> to vector<10000xf32>
    %add3A_55 = arith.addf %add3A_53, %slice3A_54 : vector<10000xf32>
    %slice3A_56 = vector.extract_strided_slice %get3A_0 {offsets = [283136], sizes = [10000], strides = [1]} : vector<323584xf32> to vector<10000xf32>
    %add3A_57 = arith.addf %add3A_55, %slice3A_56 : vector<10000xf32>
    %slice3A_58 = vector.extract_strided_slice %get3A_0 {offsets = [293248], sizes = [10000], strides = [1]} : vector<323584xf32> to vector<10000xf32>
    %add3A_59 = arith.addf %add3A_57, %slice3A_58 : vector<10000xf32>
    %slice3A_60 = vector.extract_strided_slice %get3A_0 {offsets = [303360], sizes = [10000], strides = [1]} : vector<323584xf32> to vector<10000xf32>
    %add3A_61 = arith.addf %add3A_59, %slice3A_60 : vector<10000xf32>
    %slice3A_62 = vector.extract_strided_slice %get3A_0 {offsets = [313472], sizes = [10000], strides = [1]} : vector<323584xf32> to vector<10000xf32>
    %add3A_63 = arith.addf %add3A_61, %slice3A_62 : vector<10000xf32>
    %rsqrt3A = math.rsqrt %add3A_63 : vector<10000xf32>
    %swap3A = arith.constant 0 : index
    %swap3A_64 = vector.load %arg3[%swap3A] : memref<10000xf32, #tpu.memory_space<vmem>>, vector<10000xf32>
    tpu.vector_store %arg3[%swap3A], %rsqrt3A {strides = array<i32>} : memref<10000xf32, #tpu.memory_space<vmem>>, vector<10000xf32>,
    %get3A_65 = arith.constant 0 : index
    %get3A_66 = arith.constant 0 : index
    %get3A_67 = vector.load %arg1[%get3A_65, %get3A_66] : memref<128x16xf32, #tpu.memory_space<vmem>>, vector<128x16xf32>
    %get3A_68 = arith.constant 0 : index
    %get3A_69 = arith.constant 0 : index
    %get3A_70 = vector.load %arg2[%get3A_68, %get3A_69] : memref<10000x128xf32, #tpu.memory_space<vmem>>, vector<10000x128xf32>
    %dot_general3A = arith.constant dense<0.000000e+00> : vector<16x10000xf32>
    %dot_general3A_71 = tpu.matmul %get3A_67, %get3A_70, %dot_general3A {dimension_numbers = #tpu.dot_dimension_numbers<[0], [1], [1], [0], [0, 1, 1, 0], [], []>, transpose_lhs_hint = false} : vector<128x16xf32>, vector<10000x128xf32>, vector<16x10000xf32> -> vector<16x10000xf32>
    %slice3A_72 = vector.extract_strided_slice %dot_general3A_71 {offsets = [0, 0], sizes = [1, 10000], strides = [1, 1]} : vector<16x10000xf32> to vector<1x10000xf32>
    %squeeze3A = vector.shape_cast %slice3A_72 : vector<1x10000xf32> to vector<10000xf32>
    %mul3A = arith.mulf %squeeze3A, %rsqrt3A : vector<10000xf32>
    %swap3A_73 = arith.constant 0 : index
    %swap3A_74 = vector.load %arg4[%swap3A_73] : memref<160000xf32, #tpu.memory_space<vmem>>, vector<10000xf32>
    tpu.vector_store %arg4[%swap3A_73], %mul3A {strides = array<i32>} : memref<160000xf32, #tpu.memory_space<vmem>>, vector<10000xf32>,
    %slice3A_75 = vector.extract_strided_slice %dot_general3A_71 {offsets = [1, 0], sizes = [1, 10000], strides = [1, 1]} : vector<16x10000xf32> to vector<1x10000xf32>
    %squeeze3A_76 = vector.shape_cast %slice3A_75 : vector<1x10000xf32> to vector<10000xf32>
    %mul3A_77 = arith.mulf %squeeze3A_76, %rsqrt3A : vector<10000xf32>
    %swap3A_78 = arith.constant 10000 : index
    %swap3A_79 = vector.load %arg4[%swap3A_78] : memref<160000xf32, #tpu.memory_space<vmem>>, vector<10000xf32>
    tpu.vector_store %arg4[%swap3A_78], %mul3A_77 {strides = array<i32>} : memref<160000xf32, #tpu.memory_space<vmem>>, vector<10000xf32>,
    %slice3A_80 = vector.extract_strided_slice %dot_general3A_71 {offsets = [2, 0], sizes = [1, 10000], strides = [1, 1]} : vector<16x10000xf32> to vector<1x10000xf32>
    %squeeze3A_81 = vector.shape_cast %slice3A_80 : vector<1x10000xf32> to vector<10000xf32>
    %mul3A_82 = arith.mulf %squeeze3A_81, %rsqrt3A : vector<10000xf32>
    %swap3A_83 = arith.constant 20000 : index
    %swap3A_84 = vector.load %arg4[%swap3A_83] : memref<160000xf32, #tpu.memory_space<vmem>>, vector<10000xf32>
    tpu.vector_store %arg4[%swap3A_83], %mul3A_82 {strides = array<i32>} : memref<160000xf32, #tpu.memory_space<vmem>>, vector<10000xf32>,
    %slice3A_85 = vector.extract_strided_slice %dot_general3A_71 {offsets = [3, 0], sizes = [1, 10000], strides = [1, 1]} : vector<16x10000xf32> to vector<1x10000xf32>
    %squeeze3A_86 = vector.shape_cast %slice3A_85 : vector<1x10000xf32> to vector<10000xf32>
    %mul3A_87 = arith.mulf %squeeze3A_86, %rsqrt3A : vector<10000xf32>
    %swap3A_88 = arith.constant 30000 : index
    %swap3A_89 = vector.load %arg4[%swap3A_88] : memref<160000xf32, #tpu.memory_space<vmem>>, vector<10000xf32>
    tpu.vector_store %arg4[%swap3A_88], %mul3A_87 {strides = array<i32>} : memref<160000xf32, #tpu.memory_space<vmem>>, vector<10000xf32>,
    %slice3A_90 = vector.extract_strided_slice %dot_general3A_71 {offsets = [4, 0], sizes = [1, 10000], strides = [1, 1]} : vector<16x10000xf32> to vector<1x10000xf32>
    %squeeze3A_91 = vector.shape_cast %slice3A_90 : vector<1x10000xf32> to vector<10000xf32>
    %mul3A_92 = arith.mulf %squeeze3A_91, %rsqrt3A : vector<10000xf32>
    %swap3A_93 = arith.constant 40000 : index
    %swap3A_94 = vector.load %arg4[%swap3A_93] : memref<160000xf32, #tpu.memory_space<vmem>>, vector<10000xf32>
    tpu.vector_store %arg4[%swap3A_93], %mul3A_92 {strides = array<i32>} : memref<160000xf32, #tpu.memory_space<vmem>>, vector<10000xf32>,
    %slice3A_95 = vector.extract_strided_slice %dot_general3A_71 {offsets = [5, 0], sizes = [1, 10000], strides = [1, 1]} : vector<16x10000xf32> to vector<1x10000xf32>
    %squeeze3A_96 = vector.shape_cast %slice3A_95 : vector<1x10000xf32> to vector<10000xf32>
    %mul3A_97 = arith.mulf %squeeze3A_96, %rsqrt3A : vector<10000xf32>
    %swap3A_98 = arith.constant 50000 : index
    %swap3A_99 = vector.load %arg4[%swap3A_98] : memref<160000xf32, #tpu.memory_space<vmem>>, vector<10000xf32>
    tpu.vector_store %arg4[%swap3A_98], %mul3A_97 {strides = array<i32>} : memref<160000xf32, #tpu.memory_space<vmem>>, vector<10000xf32>,
    %slice3A_100 = vector.extract_strided_slice %dot_general3A_71 {offsets = [6, 0], sizes = [1, 10000], strides = [1, 1]} : vector<16x10000xf32> to vector<1x10000xf32>
    %squeeze3A_101 = vector.shape_cast %slice3A_100 : vector<1x10000xf32> to vector<10000xf32>
    %mul3A_102 = arith.mulf %squeeze3A_101, %rsqrt3A : vector<10000xf32>
    %swap3A_103 = arith.constant 60000 : index
    %swap3A_104 = vector.load %arg4[%swap3A_103] : memref<160000xf32, #tpu.memory_space<vmem>>, vector<10000xf32>
    tpu.vector_store %arg4[%swap3A_103], %mul3A_102 {strides = array<i32>} : memref<160000xf32, #tpu.memory_space<vmem>>, vector<10000xf32>,
    %slice3A_105 = vector.extract_strided_slice %dot_general3A_71 {offsets = [7, 0], sizes = [1, 10000], strides = [1, 1]} : vector<16x10000xf32> to vector<1x10000xf32>
    %squeeze3A_106 = vector.shape_cast %slice3A_105 : vector<1x10000xf32> to vector<10000xf32>
    %mul3A_107 = arith.mulf %squeeze3A_106, %rsqrt3A : vector<10000xf32>
    %swap3A_108 = arith.constant 70000 : index
    %swap3A_109 = vector.load %arg4[%swap3A_108] : memref<160000xf32, #tpu.memory_space<vmem>>, vector<10000xf32>
    tpu.vector_store %arg4[%swap3A_108], %mul3A_107 {strides = array<i32>} : memref<160000xf32, #tpu.memory_space<vmem>>, vector<10000xf32>,
    %slice3A_110 = vector.extract_strided_slice %dot_general3A_71 {offsets = [8, 0], sizes = [1, 10000], strides = [1, 1]} : vector<16x10000xf32> to vector<1x10000xf32>
    %squeeze3A_111 = vector.shape_cast %slice3A_110 : vector<1x10000xf32> to vector<10000xf32>
    %mul3A_112 = arith.mulf %squeeze3A_111, %rsqrt3A : vector<10000xf32>
    %swap3A_113 = arith.constant 80000 : index
    %swap3A_114 = vector.load %arg4[%swap3A_113] : memref<160000xf32, #tpu.memory_space<vmem>>, vector<10000xf32>
    tpu.vector_store %arg4[%swap3A_113], %mul3A_112 {strides = array<i32>} : memref<160000xf32, #tpu.memory_space<vmem>>, vector<10000xf32>,
    %slice3A_115 = vector.extract_strided_slice %dot_general3A_71 {offsets = [9, 0], sizes = [1, 10000], strides = [1, 1]} : vector<16x10000xf32> to vector<1x10000xf32>
    %squeeze3A_116 = vector.shape_cast %slice3A_115 : vector<1x10000xf32> to vector<10000xf32>
    %mul3A_117 = arith.mulf %squeeze3A_116, %rsqrt3A : vector<10000xf32>
    %swap3A_118 = arith.constant 90000 : index
    %swap3A_119 = vector.load %arg4[%swap3A_118] : memref<160000xf32, #tpu.memory_space<vmem>>, vector<10000xf32>
    tpu.vector_store %arg4[%swap3A_118], %mul3A_117 {strides = array<i32>} : memref<160000xf32, #tpu.memory_space<vmem>>, vector<10000xf32>,
    %slice3A_120 = vector.extract_strided_slice %dot_general3A_71 {offsets = [10, 0], sizes = [1, 10000], strides = [1, 1]} : vector<16x10000xf32> to vector<1x10000xf32>
    %squeeze3A_121 = vector.shape_cast %slice3A_120 : vector<1x10000xf32> to vector<10000xf32>
    %mul3A_122 = arith.mulf %squeeze3A_121, %rsqrt3A : vector<10000xf32>
    %swap3A_123 = arith.constant 100000 : index
    %swap3A_124 = vector.load %arg4[%swap3A_123] : memref<160000xf32, #tpu.memory_space<vmem>>, vector<10000xf32>
    tpu.vector_store %arg4[%swap3A_123], %mul3A_122 {strides = array<i32>} : memref<160000xf32, #tpu.memory_space<vmem>>, vector<10000xf32>,
    %slice3A_125 = vector.extract_strided_slice %dot_general3A_71 {offsets = [11, 0], sizes = [1, 10000], strides = [1, 1]} : vector<16x10000xf32> to vector<1x10000xf32>
    %squeeze3A_126 = vector.shape_cast %slice3A_125 : vector<1x10000xf32> to vector<10000xf32>
    %mul3A_127 = arith.mulf %squeeze3A_126, %rsqrt3A : vector<10000xf32>
    %swap3A_128 = arith.constant 110000 : index
    %swap3A_129 = vector.load %arg4[%swap3A_128] : memref<160000xf32, #tpu.memory_space<vmem>>, vector<10000xf32>
    tpu.vector_store %arg4[%swap3A_128], %mul3A_127 {strides = array<i32>} : memref<160000xf32, #tpu.memory_space<vmem>>, vector<10000xf32>,
    %slice3A_130 = vector.extract_strided_slice %dot_general3A_71 {offsets = [12, 0], sizes = [1, 10000], strides = [1, 1]} : vector<16x10000xf32> to vector<1x10000xf32>
    %squeeze3A_131 = vector.shape_cast %slice3A_130 : vector<1x10000xf32> to vector<10000xf32>
    %mul3A_132 = arith.mulf %squeeze3A_131, %rsqrt3A : vector<10000xf32>
    %swap3A_133 = arith.constant 120000 : index
    %swap3A_134 = vector.load %arg4[%swap3A_133] : memref<160000xf32, #tpu.memory_space<vmem>>, vector<10000xf32>
    tpu.vector_store %arg4[%swap3A_133], %mul3A_132 {strides = array<i32>} : memref<160000xf32, #tpu.memory_space<vmem>>, vector<10000xf32>,
    %slice3A_135 = vector.extract_strided_slice %dot_general3A_71 {offsets = [13, 0], sizes = [1, 10000], strides = [1, 1]} : vector<16x10000xf32> to vector<1x10000xf32>
    %squeeze3A_136 = vector.shape_cast %slice3A_135 : vector<1x10000xf32> to vector<10000xf32>
    %mul3A_137 = arith.mulf %squeeze3A_136, %rsqrt3A : vector<10000xf32>
    %swap3A_138 = arith.constant 130000 : index
    %swap3A_139 = vector.load %arg4[%swap3A_138] : memref<160000xf32, #tpu.memory_space<vmem>>, vector<10000xf32>
    tpu.vector_store %arg4[%swap3A_138], %mul3A_137 {strides = array<i32>} : memref<160000xf32, #tpu.memory_space<vmem>>, vector<10000xf32>,
    %slice3A_140 = vector.extract_strided_slice %dot_general3A_71 {offsets = [14, 0], sizes = [1, 10000], strides = [1, 1]} : vector<16x10000xf32> to vector<1x10000xf32>
    %squeeze3A_141 = vector.shape_cast %slice3A_140 : vector<1x10000xf32> to vector<10000xf32>
    %mul3A_142 = arith.mulf %squeeze3A_141, %rsqrt3A : vector<10000xf32>
    %swap3A_143 = arith.constant 140000 : index
    %swap3A_144 = vector.load %arg4[%swap3A_143] : memref<160000xf32, #tpu.memory_space<vmem>>, vector<10000xf32>
    tpu.vector_store %arg4[%swap3A_143], %mul3A_142 {strides = array<i32>} : memref<160000xf32, #tpu.memory_space<vmem>>, vector<10000xf32>,
    %slice3A_145 = vector.extract_strided_slice %dot_general3A_71 {offsets = [15, 0], sizes = [1, 10000], strides = [1, 1]} : vector<16x10000xf32> to vector<1x10000xf32>
    %squeeze3A_146 = vector.shape_cast %slice3A_145 : vector<1x10000xf32> to vector<10000xf32>
    %mul3A_147 = arith.mulf %squeeze3A_146, %rsqrt3A : vector<10000xf32>
    %swap3A_148 = arith.constant 150000 : index
    %swap3A_149 = vector.load %arg4[%swap3A_148] : memref<160000xf32, #tpu.memory_space<vmem>>, vector<10000xf32>
    tpu.vector_store %arg4[%swap3A_148], %mul3A_147 {strides = array<i32>} : memref<160000xf32, #tpu.memory_space<vmem>>, vector<10000xf32>,
    return
  }
}

module attributes {stable_mosaic.version = 14 : i64} {
  func.func @body(%arg0: memref<1294336xf32, #tpu.memory_space<vmem>>, %arg1: memref<160000xf32, #tpu.memory_space<vmem>>, %arg2: memref<10000xf32, #tpu.memory_space<vmem>>, %arg3: memref<16x1xf32, #tpu.memory_space<vmem>>, %arg4: memref<16xf32, #tpu.memory_space<vmem>>, %arg5: memref<10000xf32, #tpu.memory_space<vmem>>) attributes {dimension_semantics = [], scalar_prefetch = 0 : i64, scratch_operands = 0 : i64, tpu.core_type = #tpu.core_type<tc>} {
    %get3A = arith.constant 0 : index
    %get3A_0 = vector.load %arg0[%get3A] : memref<1294336xf32, #tpu.memory_space<vmem>>, vector<1294336xf32>
    %get3A_1 = arith.constant 0 : index
    %get3A_2 = vector.load %arg2[%get3A_1] : memref<10000xf32, #tpu.memory_space<vmem>>, vector<10000xf32>
    %get3A_3 = arith.constant 0 : index
    %get3A_4 = arith.constant 0 : index
    %get3A_5 = vector.load %arg3[%get3A_3, %get3A_4] : memref<16x1xf32, #tpu.memory_space<vmem>>, vector<16x1xf32>
    %get3A_6 = arith.constant 0 : index
    %get3A_7 = vector.load %arg4[%get3A_6] : memref<16xf32, #tpu.memory_space<vmem>>, vector<16xf32>
    %get3A_8 = arith.constant 0 : index
    %get3A_9 = vector.load %arg1[%get3A_8] : memref<160000xf32, #tpu.memory_space<vmem>>, vector<160000xf32>
    %broadcast_in_dim3A = arith.constant 0.000000e+00 : f32
    %broadcast_in_dim3A_10 = vector.broadcast %broadcast_in_dim3A : f32 to vector<10000xf32>
    %slice3A = vector.extract_strided_slice %get3A_0 {offsets = [0], sizes = [10000], strides = [1]} : vector<1294336xf32> to vector<10000xf32>
    %slice3A_11 = vector.extract_strided_slice %get3A_0 {offsets = [161792], sizes = [10000], strides = [1]} : vector<1294336xf32> to vector<10000xf32>
    %add3A = arith.addf %slice3A, %slice3A_11 : vector<10000xf32>
    %slice3A_12 = vector.extract_strided_slice %get3A_0 {offsets = [323584], sizes = [10000], strides = [1]} : vector<1294336xf32> to vector<10000xf32>
    %add3A_13 = arith.addf %add3A, %slice3A_12 : vector<10000xf32>
    %slice3A_14 = vector.extract_strided_slice %get3A_0 {offsets = [485376], sizes = [10000], strides = [1]} : vector<1294336xf32> to vector<10000xf32>
    %add3A_15 = arith.addf %add3A_13, %slice3A_14 : vector<10000xf32>
    %slice3A_16 = vector.extract_strided_slice %get3A_0 {offsets = [647168], sizes = [10000], strides = [1]} : vector<1294336xf32> to vector<10000xf32>
    %add3A_17 = arith.addf %add3A_15, %slice3A_16 : vector<10000xf32>
    %slice3A_18 = vector.extract_strided_slice %get3A_0 {offsets = [808960], sizes = [10000], strides = [1]} : vector<1294336xf32> to vector<10000xf32>
    %add3A_19 = arith.addf %add3A_17, %slice3A_18 : vector<10000xf32>
    %slice3A_20 = vector.extract_strided_slice %get3A_0 {offsets = [970752], sizes = [10000], strides = [1]} : vector<1294336xf32> to vector<10000xf32>
    %add3A_21 = arith.addf %add3A_19, %slice3A_20 : vector<10000xf32>
    %slice3A_22 = vector.extract_strided_slice %get3A_0 {offsets = [1132544], sizes = [10000], strides = [1]} : vector<1294336xf32> to vector<10000xf32>
    %add3A_23 = arith.addf %add3A_21, %slice3A_22 : vector<10000xf32>
    %slice3A_24 = vector.extract_strided_slice %get3A_9 {offsets = [0], sizes = [10000], strides = [1]} : vector<160000xf32> to vector<10000xf32>
    %add3A_25 = arith.addf %add3A_23, %slice3A_24 : vector<10000xf32>
    %mul3A = arith.mulf %get3A_2, %add3A_25 : vector<10000xf32>
    %slice3A_26 = vector.extract_strided_slice %get3A_7 {offsets = [0], sizes = [1], strides = [1]} : vector<16xf32> to vector<1xf32>
    %squeeze3A = vector.extract %slice3A_26[0] : f32 from vector<1xf32>
    %add3A_27 = vector.broadcast %squeeze3A : f32 to vector<10000xf32>
    %add3A_28 = arith.addf %mul3A, %add3A_27 : vector<10000xf32>
    %max3A = arith.constant 0.000000e+00 : f32
    %max3A_29 = vector.broadcast %max3A : f32 to vector<10000xf32>
    %max3A_30 = arith.maximumf %add3A_28, %max3A_29 : vector<10000xf32>
    %slice3A_31 = vector.extract_strided_slice %get3A_5 {offsets = [0, 0], sizes = [1, 1], strides = [1, 1]} : vector<16x1xf32> to vector<1x1xf32>
    %squeeze3A_32 = vector.extract %slice3A_31[0, 0] : f32 from vector<1x1xf32>
    %mul3A_33 = vector.broadcast %squeeze3A_32 : f32 to vector<10000xf32>
    %mul3A_34 = arith.mulf %max3A_30, %mul3A_33 : vector<10000xf32>
    %add3A_35 = arith.addf %broadcast_in_dim3A_10, %mul3A_34 : vector<10000xf32>
    %slice3A_36 = vector.extract_strided_slice %get3A_0 {offsets = [10112], sizes = [10000], strides = [1]} : vector<1294336xf32> to vector<10000xf32>
    %slice3A_37 = vector.extract_strided_slice %get3A_0 {offsets = [171904], sizes = [10000], strides = [1]} : vector<1294336xf32> to vector<10000xf32>
    %add3A_38 = arith.addf %slice3A_36, %slice3A_37 : vector<10000xf32>
    %slice3A_39 = vector.extract_strided_slice %get3A_0 {offsets = [333696], sizes = [10000], strides = [1]} : vector<1294336xf32> to vector<10000xf32>
    %add3A_40 = arith.addf %add3A_38, %slice3A_39 : vector<10000xf32>
    %slice3A_41 = vector.extract_strided_slice %get3A_0 {offsets = [495488], sizes = [10000], strides = [1]} : vector<1294336xf32> to vector<10000xf32>
    %add3A_42 = arith.addf %add3A_40, %slice3A_41 : vector<10000xf32>
    %slice3A_43 = vector.extract_strided_slice %get3A_0 {offsets = [657280], sizes = [10000], strides = [1]} : vector<1294336xf32> to vector<10000xf32>
    %add3A_44 = arith.addf %add3A_42, %slice3A_43 : vector<10000xf32>
    %slice3A_45 = vector.extract_strided_slice %get3A_0 {offsets = [819072], sizes = [10000], strides = [1]} : vector<1294336xf32> to vector<10000xf32>
    %add3A_46 = arith.addf %add3A_44, %slice3A_45 : vector<10000xf32>
    %slice3A_47 = vector.extract_strided_slice %get3A_0 {offsets = [980864], sizes = [10000], strides = [1]} : vector<1294336xf32> to vector<10000xf32>
    %add3A_48 = arith.addf %add3A_46, %slice3A_47 : vector<10000xf32>
    %slice3A_49 = vector.extract_strided_slice %get3A_0 {offsets = [1142656], sizes = [10000], strides = [1]} : vector<1294336xf32> to vector<10000xf32>
    %add3A_50 = arith.addf %add3A_48, %slice3A_49 : vector<10000xf32>
    %slice3A_51 = vector.extract_strided_slice %get3A_9 {offsets = [10000], sizes = [10000], strides = [1]} : vector<160000xf32> to vector<10000xf32>
    %add3A_52 = arith.addf %add3A_50, %slice3A_51 : vector<10000xf32>
    %mul3A_53 = arith.mulf %get3A_2, %add3A_52 : vector<10000xf32>
    %slice3A_54 = vector.extract_strided_slice %get3A_7 {offsets = [1], sizes = [1], strides = [1]} : vector<16xf32> to vector<1xf32>
    %squeeze3A_55 = vector.extract %slice3A_54[0] : f32 from vector<1xf32>
    %add3A_56 = vector.broadcast %squeeze3A_55 : f32 to vector<10000xf32>
    %add3A_57 = arith.addf %mul3A_53, %add3A_56 : vector<10000xf32>
    %max3A_58 = arith.constant 0.000000e+00 : f32
    %max3A_59 = vector.broadcast %max3A_58 : f32 to vector<10000xf32>
    %max3A_60 = arith.maximumf %add3A_57, %max3A_59 : vector<10000xf32>
    %slice3A_61 = vector.extract_strided_slice %get3A_5 {offsets = [1, 0], sizes = [1, 1], strides = [1, 1]} : vector<16x1xf32> to vector<1x1xf32>
    %squeeze3A_62 = vector.extract %slice3A_61[0, 0] : f32 from vector<1x1xf32>
    %mul3A_63 = vector.broadcast %squeeze3A_62 : f32 to vector<10000xf32>
    %mul3A_64 = arith.mulf %max3A_60, %mul3A_63 : vector<10000xf32>
    %add3A_65 = arith.addf %add3A_35, %mul3A_64 : vector<10000xf32>
    %slice3A_66 = vector.extract_strided_slice %get3A_0 {offsets = [20224], sizes = [10000], strides = [1]} : vector<1294336xf32> to vector<10000xf32>
    %slice3A_67 = vector.extract_strided_slice %get3A_0 {offsets = [182016], sizes = [10000], strides = [1]} : vector<1294336xf32> to vector<10000xf32>
    %add3A_68 = arith.addf %slice3A_66, %slice3A_67 : vector<10000xf32>
    %slice3A_69 = vector.extract_strided_slice %get3A_0 {offsets = [343808], sizes = [10000], strides = [1]} : vector<1294336xf32> to vector<10000xf32>
    %add3A_70 = arith.addf %add3A_68, %slice3A_69 : vector<10000xf32>
    %slice3A_71 = vector.extract_strided_slice %get3A_0 {offsets = [505600], sizes = [10000], strides = [1]} : vector<1294336xf32> to vector<10000xf32>
    %add3A_72 = arith.addf %add3A_70, %slice3A_71 : vector<10000xf32>
    %slice3A_73 = vector.extract_strided_slice %get3A_0 {offsets = [667392], sizes = [10000], strides = [1]} : vector<1294336xf32> to vector<10000xf32>
    %add3A_74 = arith.addf %add3A_72, %slice3A_73 : vector<10000xf32>
    %slice3A_75 = vector.extract_strided_slice %get3A_0 {offsets = [829184], sizes = [10000], strides = [1]} : vector<1294336xf32> to vector<10000xf32>
    %add3A_76 = arith.addf %add3A_74, %slice3A_75 : vector<10000xf32>
    %slice3A_77 = vector.extract_strided_slice %get3A_0 {offsets = [990976], sizes = [10000], strides = [1]} : vector<1294336xf32> to vector<10000xf32>
    %add3A_78 = arith.addf %add3A_76, %slice3A_77 : vector<10000xf32>
    %slice3A_79 = vector.extract_strided_slice %get3A_0 {offsets = [1152768], sizes = [10000], strides = [1]} : vector<1294336xf32> to vector<10000xf32>
    %add3A_80 = arith.addf %add3A_78, %slice3A_79 : vector<10000xf32>
    %slice3A_81 = vector.extract_strided_slice %get3A_9 {offsets = [20000], sizes = [10000], strides = [1]} : vector<160000xf32> to vector<10000xf32>
    %add3A_82 = arith.addf %add3A_80, %slice3A_81 : vector<10000xf32>
    %mul3A_83 = arith.mulf %get3A_2, %add3A_82 : vector<10000xf32>
    %slice3A_84 = vector.extract_strided_slice %get3A_7 {offsets = [2], sizes = [1], strides = [1]} : vector<16xf32> to vector<1xf32>
    %squeeze3A_85 = vector.extract %slice3A_84[0] : f32 from vector<1xf32>
    %add3A_86 = vector.broadcast %squeeze3A_85 : f32 to vector<10000xf32>
    %add3A_87 = arith.addf %mul3A_83, %add3A_86 : vector<10000xf32>
    %max3A_88 = arith.constant 0.000000e+00 : f32
    %max3A_89 = vector.broadcast %max3A_88 : f32 to vector<10000xf32>
    %max3A_90 = arith.maximumf %add3A_87, %max3A_89 : vector<10000xf32>
    %slice3A_91 = vector.extract_strided_slice %get3A_5 {offsets = [2, 0], sizes = [1, 1], strides = [1, 1]} : vector<16x1xf32> to vector<1x1xf32>
    %squeeze3A_92 = vector.extract %slice3A_91[0, 0] : f32 from vector<1x1xf32>
    %mul3A_93 = vector.broadcast %squeeze3A_92 : f32 to vector<10000xf32>
    %mul3A_94 = arith.mulf %max3A_90, %mul3A_93 : vector<10000xf32>
    %add3A_95 = arith.addf %add3A_65, %mul3A_94 : vector<10000xf32>
    %slice3A_96 = vector.extract_strided_slice %get3A_0 {offsets = [30336], sizes = [10000], strides = [1]} : vector<1294336xf32> to vector<10000xf32>
    %slice3A_97 = vector.extract_strided_slice %get3A_0 {offsets = [192128], sizes = [10000], strides = [1]} : vector<1294336xf32> to vector<10000xf32>
    %add3A_98 = arith.addf %slice3A_96, %slice3A_97 : vector<10000xf32>
    %slice3A_99 = vector.extract_strided_slice %get3A_0 {offsets = [353920], sizes = [10000], strides = [1]} : vector<1294336xf32> to vector<10000xf32>
    %add3A_100 = arith.addf %add3A_98, %slice3A_99 : vector<10000xf32>
    %slice3A_101 = vector.extract_strided_slice %get3A_0 {offsets = [515712], sizes = [10000], strides = [1]} : vector<1294336xf32> to vector<10000xf32>
    %add3A_102 = arith.addf %add3A_100, %slice3A_101 : vector<10000xf32>
    %slice3A_103 = vector.extract_strided_slice %get3A_0 {offsets = [677504], sizes = [10000], strides = [1]} : vector<1294336xf32> to vector<10000xf32>
    %add3A_104 = arith.addf %add3A_102, %slice3A_103 : vector<10000xf32>
    %slice3A_105 = vector.extract_strided_slice %get3A_0 {offsets = [839296], sizes = [10000], strides = [1]} : vector<1294336xf32> to vector<10000xf32>
    %add3A_106 = arith.addf %add3A_104, %slice3A_105 : vector<10000xf32>
    %slice3A_107 = vector.extract_strided_slice %get3A_0 {offsets = [1001088], sizes = [10000], strides = [1]} : vector<1294336xf32> to vector<10000xf32>
    %add3A_108 = arith.addf %add3A_106, %slice3A_107 : vector<10000xf32>
    %slice3A_109 = vector.extract_strided_slice %get3A_0 {offsets = [1162880], sizes = [10000], strides = [1]} : vector<1294336xf32> to vector<10000xf32>
    %add3A_110 = arith.addf %add3A_108, %slice3A_109 : vector<10000xf32>
    %slice3A_111 = vector.extract_strided_slice %get3A_9 {offsets = [30000], sizes = [10000], strides = [1]} : vector<160000xf32> to vector<10000xf32>
    %add3A_112 = arith.addf %add3A_110, %slice3A_111 : vector<10000xf32>
    %mul3A_113 = arith.mulf %get3A_2, %add3A_112 : vector<10000xf32>
    %slice3A_114 = vector.extract_strided_slice %get3A_7 {offsets = [3], sizes = [1], strides = [1]} : vector<16xf32> to vector<1xf32>
    %squeeze3A_115 = vector.extract %slice3A_114[0] : f32 from vector<1xf32>
    %add3A_116 = vector.broadcast %squeeze3A_115 : f32 to vector<10000xf32>
    %add3A_117 = arith.addf %mul3A_113, %add3A_116 : vector<10000xf32>
    %max3A_118 = arith.constant 0.000000e+00 : f32
    %max3A_119 = vector.broadcast %max3A_118 : f32 to vector<10000xf32>
    %max3A_120 = arith.maximumf %add3A_117, %max3A_119 : vector<10000xf32>
    %slice3A_121 = vector.extract_strided_slice %get3A_5 {offsets = [3, 0], sizes = [1, 1], strides = [1, 1]} : vector<16x1xf32> to vector<1x1xf32>
    %squeeze3A_122 = vector.extract %slice3A_121[0, 0] : f32 from vector<1x1xf32>
    %mul3A_123 = vector.broadcast %squeeze3A_122 : f32 to vector<10000xf32>
    %mul3A_124 = arith.mulf %max3A_120, %mul3A_123 : vector<10000xf32>
    %add3A_125 = arith.addf %add3A_95, %mul3A_124 : vector<10000xf32>
    %slice3A_126 = vector.extract_strided_slice %get3A_0 {offsets = [40448], sizes = [10000], strides = [1]} : vector<1294336xf32> to vector<10000xf32>
    %slice3A_127 = vector.extract_strided_slice %get3A_0 {offsets = [202240], sizes = [10000], strides = [1]} : vector<1294336xf32> to vector<10000xf32>
    %add3A_128 = arith.addf %slice3A_126, %slice3A_127 : vector<10000xf32>
    %slice3A_129 = vector.extract_strided_slice %get3A_0 {offsets = [364032], sizes = [10000], strides = [1]} : vector<1294336xf32> to vector<10000xf32>
    %add3A_130 = arith.addf %add3A_128, %slice3A_129 : vector<10000xf32>
    %slice3A_131 = vector.extract_strided_slice %get3A_0 {offsets = [525824], sizes = [10000], strides = [1]} : vector<1294336xf32> to vector<10000xf32>
    %add3A_132 = arith.addf %add3A_130, %slice3A_131 : vector<10000xf32>
    %slice3A_133 = vector.extract_strided_slice %get3A_0 {offsets = [687616], sizes = [10000], strides = [1]} : vector<1294336xf32> to vector<10000xf32>
    %add3A_134 = arith.addf %add3A_132, %slice3A_133 : vector<10000xf32>
    %slice3A_135 = vector.extract_strided_slice %get3A_0 {offsets = [849408], sizes = [10000], strides = [1]} : vector<1294336xf32> to vector<10000xf32>
    %add3A_136 = arith.addf %add3A_134, %slice3A_135 : vector<10000xf32>
    %slice3A_137 = vector.extract_strided_slice %get3A_0 {offsets = [1011200], sizes = [10000], strides = [1]} : vector<1294336xf32> to vector<10000xf32>
    %add3A_138 = arith.addf %add3A_136, %slice3A_137 : vector<10000xf32>
    %slice3A_139 = vector.extract_strided_slice %get3A_0 {offsets = [1172992], sizes = [10000], strides = [1]} : vector<1294336xf32> to vector<10000xf32>
    %add3A_140 = arith.addf %add3A_138, %slice3A_139 : vector<10000xf32>
    %slice3A_141 = vector.extract_strided_slice %get3A_9 {offsets = [40000], sizes = [10000], strides = [1]} : vector<160000xf32> to vector<10000xf32>
    %add3A_142 = arith.addf %add3A_140, %slice3A_141 : vector<10000xf32>
    %mul3A_143 = arith.mulf %get3A_2, %add3A_142 : vector<10000xf32>
    %slice3A_144 = vector.extract_strided_slice %get3A_7 {offsets = [4], sizes = [1], strides = [1]} : vector<16xf32> to vector<1xf32>
    %squeeze3A_145 = vector.extract %slice3A_144[0] : f32 from vector<1xf32>
    %add3A_146 = vector.broadcast %squeeze3A_145 : f32 to vector<10000xf32>
    %add3A_147 = arith.addf %mul3A_143, %add3A_146 : vector<10000xf32>
    %max3A_148 = arith.constant 0.000000e+00 : f32
    %max3A_149 = vector.broadcast %max3A_148 : f32 to vector<10000xf32>
    %max3A_150 = arith.maximumf %add3A_147, %max3A_149 : vector<10000xf32>
    %slice3A_151 = vector.extract_strided_slice %get3A_5 {offsets = [4, 0], sizes = [1, 1], strides = [1, 1]} : vector<16x1xf32> to vector<1x1xf32>
    %squeeze3A_152 = vector.extract %slice3A_151[0, 0] : f32 from vector<1x1xf32>
    %mul3A_153 = vector.broadcast %squeeze3A_152 : f32 to vector<10000xf32>
    %mul3A_154 = arith.mulf %max3A_150, %mul3A_153 : vector<10000xf32>
    %add3A_155 = arith.addf %add3A_125, %mul3A_154 : vector<10000xf32>
    %slice3A_156 = vector.extract_strided_slice %get3A_0 {offsets = [50560], sizes = [10000], strides = [1]} : vector<1294336xf32> to vector<10000xf32>
    %slice3A_157 = vector.extract_strided_slice %get3A_0 {offsets = [212352], sizes = [10000], strides = [1]} : vector<1294336xf32> to vector<10000xf32>
    %add3A_158 = arith.addf %slice3A_156, %slice3A_157 : vector<10000xf32>
    %slice3A_159 = vector.extract_strided_slice %get3A_0 {offsets = [374144], sizes = [10000], strides = [1]} : vector<1294336xf32> to vector<10000xf32>
    %add3A_160 = arith.addf %add3A_158, %slice3A_159 : vector<10000xf32>
    %slice3A_161 = vector.extract_strided_slice %get3A_0 {offsets = [535936], sizes = [10000], strides = [1]} : vector<1294336xf32> to vector<10000xf32>
    %add3A_162 = arith.addf %add3A_160, %slice3A_161 : vector<10000xf32>
    %slice3A_163 = vector.extract_strided_slice %get3A_0 {offsets = [697728], sizes = [10000], strides = [1]} : vector<1294336xf32> to vector<10000xf32>
    %add3A_164 = arith.addf %add3A_162, %slice3A_163 : vector<10000xf32>
    %slice3A_165 = vector.extract_strided_slice %get3A_0 {offsets = [859520], sizes = [10000], strides = [1]} : vector<1294336xf32> to vector<10000xf32>
    %add3A_166 = arith.addf %add3A_164, %slice3A_165 : vector<10000xf32>
    %slice3A_167 = vector.extract_strided_slice %get3A_0 {offsets = [1021312], sizes = [10000], strides = [1]} : vector<1294336xf32> to vector<10000xf32>
    %add3A_168 = arith.addf %add3A_166, %slice3A_167 : vector<10000xf32>
    %slice3A_169 = vector.extract_strided_slice %get3A_0 {offsets = [1183104], sizes = [10000], strides = [1]} : vector<1294336xf32> to vector<10000xf32>
    %add3A_170 = arith.addf %add3A_168, %slice3A_169 : vector<10000xf32>
    %slice3A_171 = vector.extract_strided_slice %get3A_9 {offsets = [50000], sizes = [10000], strides = [1]} : vector<160000xf32> to vector<10000xf32>
    %add3A_172 = arith.addf %add3A_170, %slice3A_171 : vector<10000xf32>
    %mul3A_173 = arith.mulf %get3A_2, %add3A_172 : vector<10000xf32>
    %slice3A_174 = vector.extract_strided_slice %get3A_7 {offsets = [5], sizes = [1], strides = [1]} : vector<16xf32> to vector<1xf32>
    %squeeze3A_175 = vector.extract %slice3A_174[0] : f32 from vector<1xf32>
    %add3A_176 = vector.broadcast %squeeze3A_175 : f32 to vector<10000xf32>
    %add3A_177 = arith.addf %mul3A_173, %add3A_176 : vector<10000xf32>
    %max3A_178 = arith.constant 0.000000e+00 : f32
    %max3A_179 = vector.broadcast %max3A_178 : f32 to vector<10000xf32>
    %max3A_180 = arith.maximumf %add3A_177, %max3A_179 : vector<10000xf32>
    %slice3A_181 = vector.extract_strided_slice %get3A_5 {offsets = [5, 0], sizes = [1, 1], strides = [1, 1]} : vector<16x1xf32> to vector<1x1xf32>
    %squeeze3A_182 = vector.extract %slice3A_181[0, 0] : f32 from vector<1x1xf32>
    %mul3A_183 = vector.broadcast %squeeze3A_182 : f32 to vector<10000xf32>
    %mul3A_184 = arith.mulf %max3A_180, %mul3A_183 : vector<10000xf32>
    %add3A_185 = arith.addf %add3A_155, %mul3A_184 : vector<10000xf32>
    %slice3A_186 = vector.extract_strided_slice %get3A_0 {offsets = [60672], sizes = [10000], strides = [1]} : vector<1294336xf32> to vector<10000xf32>
    %slice3A_187 = vector.extract_strided_slice %get3A_0 {offsets = [222464], sizes = [10000], strides = [1]} : vector<1294336xf32> to vector<10000xf32>
    %add3A_188 = arith.addf %slice3A_186, %slice3A_187 : vector<10000xf32>
    %slice3A_189 = vector.extract_strided_slice %get3A_0 {offsets = [384256], sizes = [10000], strides = [1]} : vector<1294336xf32> to vector<10000xf32>
    %add3A_190 = arith.addf %add3A_188, %slice3A_189 : vector<10000xf32>
    %slice3A_191 = vector.extract_strided_slice %get3A_0 {offsets = [546048], sizes = [10000], strides = [1]} : vector<1294336xf32> to vector<10000xf32>
    %add3A_192 = arith.addf %add3A_190, %slice3A_191 : vector<10000xf32>
    %slice3A_193 = vector.extract_strided_slice %get3A_0 {offsets = [707840], sizes = [10000], strides = [1]} : vector<1294336xf32> to vector<10000xf32>
    %add3A_194 = arith.addf %add3A_192, %slice3A_193 : vector<10000xf32>
    %slice3A_195 = vector.extract_strided_slice %get3A_0 {offsets = [869632], sizes = [10000], strides = [1]} : vector<1294336xf32> to vector<10000xf32>
    %add3A_196 = arith.addf %add3A_194, %slice3A_195 : vector<10000xf32>
    %slice3A_197 = vector.extract_strided_slice %get3A_0 {offsets = [1031424], sizes = [10000], strides = [1]} : vector<1294336xf32> to vector<10000xf32>
    %add3A_198 = arith.addf %add3A_196, %slice3A_197 : vector<10000xf32>
    %slice3A_199 = vector.extract_strided_slice %get3A_0 {offsets = [1193216], sizes = [10000], strides = [1]} : vector<1294336xf32> to vector<10000xf32>
    %add3A_200 = arith.addf %add3A_198, %slice3A_199 : vector<10000xf32>
    %slice3A_201 = vector.extract_strided_slice %get3A_9 {offsets = [60000], sizes = [10000], strides = [1]} : vector<160000xf32> to vector<10000xf32>
    %add3A_202 = arith.addf %add3A_200, %slice3A_201 : vector<10000xf32>
    %mul3A_203 = arith.mulf %get3A_2, %add3A_202 : vector<10000xf32>
    %slice3A_204 = vector.extract_strided_slice %get3A_7 {offsets = [6], sizes = [1], strides = [1]} : vector<16xf32> to vector<1xf32>
    %squeeze3A_205 = vector.extract %slice3A_204[0] : f32 from vector<1xf32>
    %add3A_206 = vector.broadcast %squeeze3A_205 : f32 to vector<10000xf32>
    %add3A_207 = arith.addf %mul3A_203, %add3A_206 : vector<10000xf32>
    %max3A_208 = arith.constant 0.000000e+00 : f32
    %max3A_209 = vector.broadcast %max3A_208 : f32 to vector<10000xf32>
    %max3A_210 = arith.maximumf %add3A_207, %max3A_209 : vector<10000xf32>
    %slice3A_211 = vector.extract_strided_slice %get3A_5 {offsets = [6, 0], sizes = [1, 1], strides = [1, 1]} : vector<16x1xf32> to vector<1x1xf32>
    %squeeze3A_212 = vector.extract %slice3A_211[0, 0] : f32 from vector<1x1xf32>
    %mul3A_213 = vector.broadcast %squeeze3A_212 : f32 to vector<10000xf32>
    %mul3A_214 = arith.mulf %max3A_210, %mul3A_213 : vector<10000xf32>
    %add3A_215 = arith.addf %add3A_185, %mul3A_214 : vector<10000xf32>
    %slice3A_216 = vector.extract_strided_slice %get3A_0 {offsets = [70784], sizes = [10000], strides = [1]} : vector<1294336xf32> to vector<10000xf32>
    %slice3A_217 = vector.extract_strided_slice %get3A_0 {offsets = [232576], sizes = [10000], strides = [1]} : vector<1294336xf32> to vector<10000xf32>
    %add3A_218 = arith.addf %slice3A_216, %slice3A_217 : vector<10000xf32>
    %slice3A_219 = vector.extract_strided_slice %get3A_0 {offsets = [394368], sizes = [10000], strides = [1]} : vector<1294336xf32> to vector<10000xf32>
    %add3A_220 = arith.addf %add3A_218, %slice3A_219 : vector<10000xf32>
    %slice3A_221 = vector.extract_strided_slice %get3A_0 {offsets = [556160], sizes = [10000], strides = [1]} : vector<1294336xf32> to vector<10000xf32>
    %add3A_222 = arith.addf %add3A_220, %slice3A_221 : vector<10000xf32>
    %slice3A_223 = vector.extract_strided_slice %get3A_0 {offsets = [717952], sizes = [10000], strides = [1]} : vector<1294336xf32> to vector<10000xf32>
    %add3A_224 = arith.addf %add3A_222, %slice3A_223 : vector<10000xf32>
    %slice3A_225 = vector.extract_strided_slice %get3A_0 {offsets = [879744], sizes = [10000], strides = [1]} : vector<1294336xf32> to vector<10000xf32>
    %add3A_226 = arith.addf %add3A_224, %slice3A_225 : vector<10000xf32>
    %slice3A_227 = vector.extract_strided_slice %get3A_0 {offsets = [1041536], sizes = [10000], strides = [1]} : vector<1294336xf32> to vector<10000xf32>
    %add3A_228 = arith.addf %add3A_226, %slice3A_227 : vector<10000xf32>
    %slice3A_229 = vector.extract_strided_slice %get3A_0 {offsets = [1203328], sizes = [10000], strides = [1]} : vector<1294336xf32> to vector<10000xf32>
    %add3A_230 = arith.addf %add3A_228, %slice3A_229 : vector<10000xf32>
    %slice3A_231 = vector.extract_strided_slice %get3A_9 {offsets = [70000], sizes = [10000], strides = [1]} : vector<160000xf32> to vector<10000xf32>
    %add3A_232 = arith.addf %add3A_230, %slice3A_231 : vector<10000xf32>
    %mul3A_233 = arith.mulf %get3A_2, %add3A_232 : vector<10000xf32>
    %slice3A_234 = vector.extract_strided_slice %get3A_7 {offsets = [7], sizes = [1], strides = [1]} : vector<16xf32> to vector<1xf32>
    %squeeze3A_235 = vector.extract %slice3A_234[0] : f32 from vector<1xf32>
    %add3A_236 = vector.broadcast %squeeze3A_235 : f32 to vector<10000xf32>
    %add3A_237 = arith.addf %mul3A_233, %add3A_236 : vector<10000xf32>
    %max3A_238 = arith.constant 0.000000e+00 : f32
    %max3A_239 = vector.broadcast %max3A_238 : f32 to vector<10000xf32>
    %max3A_240 = arith.maximumf %add3A_237, %max3A_239 : vector<10000xf32>
    %slice3A_241 = vector.extract_strided_slice %get3A_5 {offsets = [7, 0], sizes = [1, 1], strides = [1, 1]} : vector<16x1xf32> to vector<1x1xf32>
    %squeeze3A_242 = vector.extract %slice3A_241[0, 0] : f32 from vector<1x1xf32>
    %mul3A_243 = vector.broadcast %squeeze3A_242 : f32 to vector<10000xf32>
    %mul3A_244 = arith.mulf %max3A_240, %mul3A_243 : vector<10000xf32>
    %add3A_245 = arith.addf %add3A_215, %mul3A_244 : vector<10000xf32>
    %slice3A_246 = vector.extract_strided_slice %get3A_0 {offsets = [80896], sizes = [10000], strides = [1]} : vector<1294336xf32> to vector<10000xf32>
    %slice3A_247 = vector.extract_strided_slice %get3A_0 {offsets = [242688], sizes = [10000], strides = [1]} : vector<1294336xf32> to vector<10000xf32>
    %add3A_248 = arith.addf %slice3A_246, %slice3A_247 : vector<10000xf32>
    %slice3A_249 = vector.extract_strided_slice %get3A_0 {offsets = [404480], sizes = [10000], strides = [1]} : vector<1294336xf32> to vector<10000xf32>
    %add3A_250 = arith.addf %add3A_248, %slice3A_249 : vector<10000xf32>
    %slice3A_251 = vector.extract_strided_slice %get3A_0 {offsets = [566272], sizes = [10000], strides = [1]} : vector<1294336xf32> to vector<10000xf32>
    %add3A_252 = arith.addf %add3A_250, %slice3A_251 : vector<10000xf32>
    %slice3A_253 = vector.extract_strided_slice %get3A_0 {offsets = [728064], sizes = [10000], strides = [1]} : vector<1294336xf32> to vector<10000xf32>
    %add3A_254 = arith.addf %add3A_252, %slice3A_253 : vector<10000xf32>
    %slice3A_255 = vector.extract_strided_slice %get3A_0 {offsets = [889856], sizes = [10000], strides = [1]} : vector<1294336xf32> to vector<10000xf32>
    %add3A_256 = arith.addf %add3A_254, %slice3A_255 : vector<10000xf32>
    %slice3A_257 = vector.extract_strided_slice %get3A_0 {offsets = [1051648], sizes = [10000], strides = [1]} : vector<1294336xf32> to vector<10000xf32>
    %add3A_258 = arith.addf %add3A_256, %slice3A_257 : vector<10000xf32>
    %slice3A_259 = vector.extract_strided_slice %get3A_0 {offsets = [1213440], sizes = [10000], strides = [1]} : vector<1294336xf32> to vector<10000xf32>
    %add3A_260 = arith.addf %add3A_258, %slice3A_259 : vector<10000xf32>
    %slice3A_261 = vector.extract_strided_slice %get3A_9 {offsets = [80000], sizes = [10000], strides = [1]} : vector<160000xf32> to vector<10000xf32>
    %add3A_262 = arith.addf %add3A_260, %slice3A_261 : vector<10000xf32>
    %mul3A_263 = arith.mulf %get3A_2, %add3A_262 : vector<10000xf32>
    %slice3A_264 = vector.extract_strided_slice %get3A_7 {offsets = [8], sizes = [1], strides = [1]} : vector<16xf32> to vector<1xf32>
    %squeeze3A_265 = vector.extract %slice3A_264[0] : f32 from vector<1xf32>
    %add3A_266 = vector.broadcast %squeeze3A_265 : f32 to vector<10000xf32>
    %add3A_267 = arith.addf %mul3A_263, %add3A_266 : vector<10000xf32>
    %max3A_268 = arith.constant 0.000000e+00 : f32
    %max3A_269 = vector.broadcast %max3A_268 : f32 to vector<10000xf32>
    %max3A_270 = arith.maximumf %add3A_267, %max3A_269 : vector<10000xf32>
    %slice3A_271 = vector.extract_strided_slice %get3A_5 {offsets = [8, 0], sizes = [1, 1], strides = [1, 1]} : vector<16x1xf32> to vector<1x1xf32>
    %squeeze3A_272 = vector.extract %slice3A_271[0, 0] : f32 from vector<1x1xf32>
    %mul3A_273 = vector.broadcast %squeeze3A_272 : f32 to vector<10000xf32>
    %mul3A_274 = arith.mulf %max3A_270, %mul3A_273 : vector<10000xf32>
    %add3A_275 = arith.addf %add3A_245, %mul3A_274 : vector<10000xf32>
    %slice3A_276 = vector.extract_strided_slice %get3A_0 {offsets = [91008], sizes = [10000], strides = [1]} : vector<1294336xf32> to vector<10000xf32>
    %slice3A_277 = vector.extract_strided_slice %get3A_0 {offsets = [252800], sizes = [10000], strides = [1]} : vector<1294336xf32> to vector<10000xf32>
    %add3A_278 = arith.addf %slice3A_276, %slice3A_277 : vector<10000xf32>
    %slice3A_279 = vector.extract_strided_slice %get3A_0 {offsets = [414592], sizes = [10000], strides = [1]} : vector<1294336xf32> to vector<10000xf32>
    %add3A_280 = arith.addf %add3A_278, %slice3A_279 : vector<10000xf32>
    %slice3A_281 = vector.extract_strided_slice %get3A_0 {offsets = [576384], sizes = [10000], strides = [1]} : vector<1294336xf32> to vector<10000xf32>
    %add3A_282 = arith.addf %add3A_280, %slice3A_281 : vector<10000xf32>
    %slice3A_283 = vector.extract_strided_slice %get3A_0 {offsets = [738176], sizes = [10000], strides = [1]} : vector<1294336xf32> to vector<10000xf32>
    %add3A_284 = arith.addf %add3A_282, %slice3A_283 : vector<10000xf32>
    %slice3A_285 = vector.extract_strided_slice %get3A_0 {offsets = [899968], sizes = [10000], strides = [1]} : vector<1294336xf32> to vector<10000xf32>
    %add3A_286 = arith.addf %add3A_284, %slice3A_285 : vector<10000xf32>
    %slice3A_287 = vector.extract_strided_slice %get3A_0 {offsets = [1061760], sizes = [10000], strides = [1]} : vector<1294336xf32> to vector<10000xf32>
    %add3A_288 = arith.addf %add3A_286, %slice3A_287 : vector<10000xf32>
    %slice3A_289 = vector.extract_strided_slice %get3A_0 {offsets = [1223552], sizes = [10000], strides = [1]} : vector<1294336xf32> to vector<10000xf32>
    %add3A_290 = arith.addf %add3A_288, %slice3A_289 : vector<10000xf32>
    %slice3A_291 = vector.extract_strided_slice %get3A_9 {offsets = [90000], sizes = [10000], strides = [1]} : vector<160000xf32> to vector<10000xf32>
    %add3A_292 = arith.addf %add3A_290, %slice3A_291 : vector<10000xf32>
    %mul3A_293 = arith.mulf %get3A_2, %add3A_292 : vector<10000xf32>
    %slice3A_294 = vector.extract_strided_slice %get3A_7 {offsets = [9], sizes = [1], strides = [1]} : vector<16xf32> to vector<1xf32>
    %squeeze3A_295 = vector.extract %slice3A_294[0] : f32 from vector<1xf32>
    %add3A_296 = vector.broadcast %squeeze3A_295 : f32 to vector<10000xf32>
    %add3A_297 = arith.addf %mul3A_293, %add3A_296 : vector<10000xf32>
    %max3A_298 = arith.constant 0.000000e+00 : f32
    %max3A_299 = vector.broadcast %max3A_298 : f32 to vector<10000xf32>
    %max3A_300 = arith.maximumf %add3A_297, %max3A_299 : vector<10000xf32>
    %slice3A_301 = vector.extract_strided_slice %get3A_5 {offsets = [9, 0], sizes = [1, 1], strides = [1, 1]} : vector<16x1xf32> to vector<1x1xf32>
    %squeeze3A_302 = vector.extract %slice3A_301[0, 0] : f32 from vector<1x1xf32>
    %mul3A_303 = vector.broadcast %squeeze3A_302 : f32 to vector<10000xf32>
    %mul3A_304 = arith.mulf %max3A_300, %mul3A_303 : vector<10000xf32>
    %add3A_305 = arith.addf %add3A_275, %mul3A_304 : vector<10000xf32>
    %slice3A_306 = vector.extract_strided_slice %get3A_0 {offsets = [101120], sizes = [10000], strides = [1]} : vector<1294336xf32> to vector<10000xf32>
    %slice3A_307 = vector.extract_strided_slice %get3A_0 {offsets = [262912], sizes = [10000], strides = [1]} : vector<1294336xf32> to vector<10000xf32>
    %add3A_308 = arith.addf %slice3A_306, %slice3A_307 : vector<10000xf32>
    %slice3A_309 = vector.extract_strided_slice %get3A_0 {offsets = [424704], sizes = [10000], strides = [1]} : vector<1294336xf32> to vector<10000xf32>
    %add3A_310 = arith.addf %add3A_308, %slice3A_309 : vector<10000xf32>
    %slice3A_311 = vector.extract_strided_slice %get3A_0 {offsets = [586496], sizes = [10000], strides = [1]} : vector<1294336xf32> to vector<10000xf32>
    %add3A_312 = arith.addf %add3A_310, %slice3A_311 : vector<10000xf32>
    %slice3A_313 = vector.extract_strided_slice %get3A_0 {offsets = [748288], sizes = [10000], strides = [1]} : vector<1294336xf32> to vector<10000xf32>
    %add3A_314 = arith.addf %add3A_312, %slice3A_313 : vector<10000xf32>
    %slice3A_315 = vector.extract_strided_slice %get3A_0 {offsets = [910080], sizes = [10000], strides = [1]} : vector<1294336xf32> to vector<10000xf32>
    %add3A_316 = arith.addf %add3A_314, %slice3A_315 : vector<10000xf32>
    %slice3A_317 = vector.extract_strided_slice %get3A_0 {offsets = [1071872], sizes = [10000], strides = [1]} : vector<1294336xf32> to vector<10000xf32>
    %add3A_318 = arith.addf %add3A_316, %slice3A_317 : vector<10000xf32>
    %slice3A_319 = vector.extract_strided_slice %get3A_0 {offsets = [1233664], sizes = [10000], strides = [1]} : vector<1294336xf32> to vector<10000xf32>
    %add3A_320 = arith.addf %add3A_318, %slice3A_319 : vector<10000xf32>
    %slice3A_321 = vector.extract_strided_slice %get3A_9 {offsets = [100000], sizes = [10000], strides = [1]} : vector<160000xf32> to vector<10000xf32>
    %add3A_322 = arith.addf %add3A_320, %slice3A_321 : vector<10000xf32>
    %mul3A_323 = arith.mulf %get3A_2, %add3A_322 : vector<10000xf32>
    %slice3A_324 = vector.extract_strided_slice %get3A_7 {offsets = [10], sizes = [1], strides = [1]} : vector<16xf32> to vector<1xf32>
    %squeeze3A_325 = vector.extract %slice3A_324[0] : f32 from vector<1xf32>
    %add3A_326 = vector.broadcast %squeeze3A_325 : f32 to vector<10000xf32>
    %add3A_327 = arith.addf %mul3A_323, %add3A_326 : vector<10000xf32>
    %max3A_328 = arith.constant 0.000000e+00 : f32
    %max3A_329 = vector.broadcast %max3A_328 : f32 to vector<10000xf32>
    %max3A_330 = arith.maximumf %add3A_327, %max3A_329 : vector<10000xf32>
    %slice3A_331 = vector.extract_strided_slice %get3A_5 {offsets = [10, 0], sizes = [1, 1], strides = [1, 1]} : vector<16x1xf32> to vector<1x1xf32>
    %squeeze3A_332 = vector.extract %slice3A_331[0, 0] : f32 from vector<1x1xf32>
    %mul3A_333 = vector.broadcast %squeeze3A_332 : f32 to vector<10000xf32>
    %mul3A_334 = arith.mulf %max3A_330, %mul3A_333 : vector<10000xf32>
    %add3A_335 = arith.addf %add3A_305, %mul3A_334 : vector<10000xf32>
    %slice3A_336 = vector.extract_strided_slice %get3A_0 {offsets = [111232], sizes = [10000], strides = [1]} : vector<1294336xf32> to vector<10000xf32>
    %slice3A_337 = vector.extract_strided_slice %get3A_0 {offsets = [273024], sizes = [10000], strides = [1]} : vector<1294336xf32> to vector<10000xf32>
    %add3A_338 = arith.addf %slice3A_336, %slice3A_337 : vector<10000xf32>
    %slice3A_339 = vector.extract_strided_slice %get3A_0 {offsets = [434816], sizes = [10000], strides = [1]} : vector<1294336xf32> to vector<10000xf32>
    %add3A_340 = arith.addf %add3A_338, %slice3A_339 : vector<10000xf32>
    %slice3A_341 = vector.extract_strided_slice %get3A_0 {offsets = [596608], sizes = [10000], strides = [1]} : vector<1294336xf32> to vector<10000xf32>
    %add3A_342 = arith.addf %add3A_340, %slice3A_341 : vector<10000xf32>
    %slice3A_343 = vector.extract_strided_slice %get3A_0 {offsets = [758400], sizes = [10000], strides = [1]} : vector<1294336xf32> to vector<10000xf32>
    %add3A_344 = arith.addf %add3A_342, %slice3A_343 : vector<10000xf32>
    %slice3A_345 = vector.extract_strided_slice %get3A_0 {offsets = [920192], sizes = [10000], strides = [1]} : vector<1294336xf32> to vector<10000xf32>
    %add3A_346 = arith.addf %add3A_344, %slice3A_345 : vector<10000xf32>
    %slice3A_347 = vector.extract_strided_slice %get3A_0 {offsets = [1081984], sizes = [10000], strides = [1]} : vector<1294336xf32> to vector<10000xf32>
    %add3A_348 = arith.addf %add3A_346, %slice3A_347 : vector<10000xf32>
    %slice3A_349 = vector.extract_strided_slice %get3A_0 {offsets = [1243776], sizes = [10000], strides = [1]} : vector<1294336xf32> to vector<10000xf32>
    %add3A_350 = arith.addf %add3A_348, %slice3A_349 : vector<10000xf32>
    %slice3A_351 = vector.extract_strided_slice %get3A_9 {offsets = [110000], sizes = [10000], strides = [1]} : vector<160000xf32> to vector<10000xf32>
    %add3A_352 = arith.addf %add3A_350, %slice3A_351 : vector<10000xf32>
    %mul3A_353 = arith.mulf %get3A_2, %add3A_352 : vector<10000xf32>
    %slice3A_354 = vector.extract_strided_slice %get3A_7 {offsets = [11], sizes = [1], strides = [1]} : vector<16xf32> to vector<1xf32>
    %squeeze3A_355 = vector.extract %slice3A_354[0] : f32 from vector<1xf32>
    %add3A_356 = vector.broadcast %squeeze3A_355 : f32 to vector<10000xf32>
    %add3A_357 = arith.addf %mul3A_353, %add3A_356 : vector<10000xf32>
    %max3A_358 = arith.constant 0.000000e+00 : f32
    %max3A_359 = vector.broadcast %max3A_358 : f32 to vector<10000xf32>
    %max3A_360 = arith.maximumf %add3A_357, %max3A_359 : vector<10000xf32>
    %slice3A_361 = vector.extract_strided_slice %get3A_5 {offsets = [11, 0], sizes = [1, 1], strides = [1, 1]} : vector<16x1xf32> to vector<1x1xf32>
    %squeeze3A_362 = vector.extract %slice3A_361[0, 0] : f32 from vector<1x1xf32>
    %mul3A_363 = vector.broadcast %squeeze3A_362 : f32 to vector<10000xf32>
    %mul3A_364 = arith.mulf %max3A_360, %mul3A_363 : vector<10000xf32>
    %add3A_365 = arith.addf %add3A_335, %mul3A_364 : vector<10000xf32>
    %slice3A_366 = vector.extract_strided_slice %get3A_0 {offsets = [121344], sizes = [10000], strides = [1]} : vector<1294336xf32> to vector<10000xf32>
    %slice3A_367 = vector.extract_strided_slice %get3A_0 {offsets = [283136], sizes = [10000], strides = [1]} : vector<1294336xf32> to vector<10000xf32>
    %add3A_368 = arith.addf %slice3A_366, %slice3A_367 : vector<10000xf32>
    %slice3A_369 = vector.extract_strided_slice %get3A_0 {offsets = [444928], sizes = [10000], strides = [1]} : vector<1294336xf32> to vector<10000xf32>
    %add3A_370 = arith.addf %add3A_368, %slice3A_369 : vector<10000xf32>
    %slice3A_371 = vector.extract_strided_slice %get3A_0 {offsets = [606720], sizes = [10000], strides = [1]} : vector<1294336xf32> to vector<10000xf32>
    %add3A_372 = arith.addf %add3A_370, %slice3A_371 : vector<10000xf32>
    %slice3A_373 = vector.extract_strided_slice %get3A_0 {offsets = [768512], sizes = [10000], strides = [1]} : vector<1294336xf32> to vector<10000xf32>
    %add3A_374 = arith.addf %add3A_372, %slice3A_373 : vector<10000xf32>
    %slice3A_375 = vector.extract_strided_slice %get3A_0 {offsets = [930304], sizes = [10000], strides = [1]} : vector<1294336xf32> to vector<10000xf32>
    %add3A_376 = arith.addf %add3A_374, %slice3A_375 : vector<10000xf32>
    %slice3A_377 = vector.extract_strided_slice %get3A_0 {offsets = [1092096], sizes = [10000], strides = [1]} : vector<1294336xf32> to vector<10000xf32>
    %add3A_378 = arith.addf %add3A_376, %slice3A_377 : vector<10000xf32>
    %slice3A_379 = vector.extract_strided_slice %get3A_0 {offsets = [1253888], sizes = [10000], strides = [1]} : vector<1294336xf32> to vector<10000xf32>
    %add3A_380 = arith.addf %add3A_378, %slice3A_379 : vector<10000xf32>
    %slice3A_381 = vector.extract_strided_slice %get3A_9 {offsets = [120000], sizes = [10000], strides = [1]} : vector<160000xf32> to vector<10000xf32>
    %add3A_382 = arith.addf %add3A_380, %slice3A_381 : vector<10000xf32>
    %mul3A_383 = arith.mulf %get3A_2, %add3A_382 : vector<10000xf32>
    %slice3A_384 = vector.extract_strided_slice %get3A_7 {offsets = [12], sizes = [1], strides = [1]} : vector<16xf32> to vector<1xf32>
    %squeeze3A_385 = vector.extract %slice3A_384[0] : f32 from vector<1xf32>
    %add3A_386 = vector.broadcast %squeeze3A_385 : f32 to vector<10000xf32>
    %add3A_387 = arith.addf %mul3A_383, %add3A_386 : vector<10000xf32>
    %max3A_388 = arith.constant 0.000000e+00 : f32
    %max3A_389 = vector.broadcast %max3A_388 : f32 to vector<10000xf32>
    %max3A_390 = arith.maximumf %add3A_387, %max3A_389 : vector<10000xf32>
    %slice3A_391 = vector.extract_strided_slice %get3A_5 {offsets = [12, 0], sizes = [1, 1], strides = [1, 1]} : vector<16x1xf32> to vector<1x1xf32>
    %squeeze3A_392 = vector.extract %slice3A_391[0, 0] : f32 from vector<1x1xf32>
    %mul3A_393 = vector.broadcast %squeeze3A_392 : f32 to vector<10000xf32>
    %mul3A_394 = arith.mulf %max3A_390, %mul3A_393 : vector<10000xf32>
    %add3A_395 = arith.addf %add3A_365, %mul3A_394 : vector<10000xf32>
    %slice3A_396 = vector.extract_strided_slice %get3A_0 {offsets = [131456], sizes = [10000], strides = [1]} : vector<1294336xf32> to vector<10000xf32>
    %slice3A_397 = vector.extract_strided_slice %get3A_0 {offsets = [293248], sizes = [10000], strides = [1]} : vector<1294336xf32> to vector<10000xf32>
    %add3A_398 = arith.addf %slice3A_396, %slice3A_397 : vector<10000xf32>
    %slice3A_399 = vector.extract_strided_slice %get3A_0 {offsets = [455040], sizes = [10000], strides = [1]} : vector<1294336xf32> to vector<10000xf32>
    %add3A_400 = arith.addf %add3A_398, %slice3A_399 : vector<10000xf32>
    %slice3A_401 = vector.extract_strided_slice %get3A_0 {offsets = [616832], sizes = [10000], strides = [1]} : vector<1294336xf32> to vector<10000xf32>
    %add3A_402 = arith.addf %add3A_400, %slice3A_401 : vector<10000xf32>
    %slice3A_403 = vector.extract_strided_slice %get3A_0 {offsets = [778624], sizes = [10000], strides = [1]} : vector<1294336xf32> to vector<10000xf32>
    %add3A_404 = arith.addf %add3A_402, %slice3A_403 : vector<10000xf32>
    %slice3A_405 = vector.extract_strided_slice %get3A_0 {offsets = [940416], sizes = [10000], strides = [1]} : vector<1294336xf32> to vector<10000xf32>
    %add3A_406 = arith.addf %add3A_404, %slice3A_405 : vector<10000xf32>
    %slice3A_407 = vector.extract_strided_slice %get3A_0 {offsets = [1102208], sizes = [10000], strides = [1]} : vector<1294336xf32> to vector<10000xf32>
    %add3A_408 = arith.addf %add3A_406, %slice3A_407 : vector<10000xf32>
    %slice3A_409 = vector.extract_strided_slice %get3A_0 {offsets = [1264000], sizes = [10000], strides = [1]} : vector<1294336xf32> to vector<10000xf32>
    %add3A_410 = arith.addf %add3A_408, %slice3A_409 : vector<10000xf32>
    %slice3A_411 = vector.extract_strided_slice %get3A_9 {offsets = [130000], sizes = [10000], strides = [1]} : vector<160000xf32> to vector<10000xf32>
    %add3A_412 = arith.addf %add3A_410, %slice3A_411 : vector<10000xf32>
    %mul3A_413 = arith.mulf %get3A_2, %add3A_412 : vector<10000xf32>
    %slice3A_414 = vector.extract_strided_slice %get3A_7 {offsets = [13], sizes = [1], strides = [1]} : vector<16xf32> to vector<1xf32>
    %squeeze3A_415 = vector.extract %slice3A_414[0] : f32 from vector<1xf32>
    %add3A_416 = vector.broadcast %squeeze3A_415 : f32 to vector<10000xf32>
    %add3A_417 = arith.addf %mul3A_413, %add3A_416 : vector<10000xf32>
    %max3A_418 = arith.constant 0.000000e+00 : f32
    %max3A_419 = vector.broadcast %max3A_418 : f32 to vector<10000xf32>
    %max3A_420 = arith.maximumf %add3A_417, %max3A_419 : vector<10000xf32>
    %slice3A_421 = vector.extract_strided_slice %get3A_5 {offsets = [13, 0], sizes = [1, 1], strides = [1, 1]} : vector<16x1xf32> to vector<1x1xf32>
    %squeeze3A_422 = vector.extract %slice3A_421[0, 0] : f32 from vector<1x1xf32>
    %mul3A_423 = vector.broadcast %squeeze3A_422 : f32 to vector<10000xf32>
    %mul3A_424 = arith.mulf %max3A_420, %mul3A_423 : vector<10000xf32>
    %add3A_425 = arith.addf %add3A_395, %mul3A_424 : vector<10000xf32>
    %slice3A_426 = vector.extract_strided_slice %get3A_0 {offsets = [141568], sizes = [10000], strides = [1]} : vector<1294336xf32> to vector<10000xf32>
    %slice3A_427 = vector.extract_strided_slice %get3A_0 {offsets = [303360], sizes = [10000], strides = [1]} : vector<1294336xf32> to vector<10000xf32>
    %add3A_428 = arith.addf %slice3A_426, %slice3A_427 : vector<10000xf32>
    %slice3A_429 = vector.extract_strided_slice %get3A_0 {offsets = [465152], sizes = [10000], strides = [1]} : vector<1294336xf32> to vector<10000xf32>
    %add3A_430 = arith.addf %add3A_428, %slice3A_429 : vector<10000xf32>
    %slice3A_431 = vector.extract_strided_slice %get3A_0 {offsets = [626944], sizes = [10000], strides = [1]} : vector<1294336xf32> to vector<10000xf32>
    %add3A_432 = arith.addf %add3A_430, %slice3A_431 : vector<10000xf32>
    %slice3A_433 = vector.extract_strided_slice %get3A_0 {offsets = [788736], sizes = [10000], strides = [1]} : vector<1294336xf32> to vector<10000xf32>
    %add3A_434 = arith.addf %add3A_432, %slice3A_433 : vector<10000xf32>
    %slice3A_435 = vector.extract_strided_slice %get3A_0 {offsets = [950528], sizes = [10000], strides = [1]} : vector<1294336xf32> to vector<10000xf32>
    %add3A_436 = arith.addf %add3A_434, %slice3A_435 : vector<10000xf32>
    %slice3A_437 = vector.extract_strided_slice %get3A_0 {offsets = [1112320], sizes = [10000], strides = [1]} : vector<1294336xf32> to vector<10000xf32>
    %add3A_438 = arith.addf %add3A_436, %slice3A_437 : vector<10000xf32>
    %slice3A_439 = vector.extract_strided_slice %get3A_0 {offsets = [1274112], sizes = [10000], strides = [1]} : vector<1294336xf32> to vector<10000xf32>
    %add3A_440 = arith.addf %add3A_438, %slice3A_439 : vector<10000xf32>
    %slice3A_441 = vector.extract_strided_slice %get3A_9 {offsets = [140000], sizes = [10000], strides = [1]} : vector<160000xf32> to vector<10000xf32>
    %add3A_442 = arith.addf %add3A_440, %slice3A_441 : vector<10000xf32>
    %mul3A_443 = arith.mulf %get3A_2, %add3A_442 : vector<10000xf32>
    %slice3A_444 = vector.extract_strided_slice %get3A_7 {offsets = [14], sizes = [1], strides = [1]} : vector<16xf32> to vector<1xf32>
    %squeeze3A_445 = vector.extract %slice3A_444[0] : f32 from vector<1xf32>
    %add3A_446 = vector.broadcast %squeeze3A_445 : f32 to vector<10000xf32>
    %add3A_447 = arith.addf %mul3A_443, %add3A_446 : vector<10000xf32>
    %max3A_448 = arith.constant 0.000000e+00 : f32
    %max3A_449 = vector.broadcast %max3A_448 : f32 to vector<10000xf32>
    %max3A_450 = arith.maximumf %add3A_447, %max3A_449 : vector<10000xf32>
    %slice3A_451 = vector.extract_strided_slice %get3A_5 {offsets = [14, 0], sizes = [1, 1], strides = [1, 1]} : vector<16x1xf32> to vector<1x1xf32>
    %squeeze3A_452 = vector.extract %slice3A_451[0, 0] : f32 from vector<1x1xf32>
    %mul3A_453 = vector.broadcast %squeeze3A_452 : f32 to vector<10000xf32>
    %mul3A_454 = arith.mulf %max3A_450, %mul3A_453 : vector<10000xf32>
    %add3A_455 = arith.addf %add3A_425, %mul3A_454 : vector<10000xf32>
    %slice3A_456 = vector.extract_strided_slice %get3A_0 {offsets = [151680], sizes = [10000], strides = [1]} : vector<1294336xf32> to vector<10000xf32>
    %slice3A_457 = vector.extract_strided_slice %get3A_0 {offsets = [313472], sizes = [10000], strides = [1]} : vector<1294336xf32> to vector<10000xf32>
    %add3A_458 = arith.addf %slice3A_456, %slice3A_457 : vector<10000xf32>
    %slice3A_459 = vector.extract_strided_slice %get3A_0 {offsets = [475264], sizes = [10000], strides = [1]} : vector<1294336xf32> to vector<10000xf32>
    %add3A_460 = arith.addf %add3A_458, %slice3A_459 : vector<10000xf32>
    %slice3A_461 = vector.extract_strided_slice %get3A_0 {offsets = [637056], sizes = [10000], strides = [1]} : vector<1294336xf32> to vector<10000xf32>
    %add3A_462 = arith.addf %add3A_460, %slice3A_461 : vector<10000xf32>
    %slice3A_463 = vector.extract_strided_slice %get3A_0 {offsets = [798848], sizes = [10000], strides = [1]} : vector<1294336xf32> to vector<10000xf32>
    %add3A_464 = arith.addf %add3A_462, %slice3A_463 : vector<10000xf32>
    %slice3A_465 = vector.extract_strided_slice %get3A_0 {offsets = [960640], sizes = [10000], strides = [1]} : vector<1294336xf32> to vector<10000xf32>
    %add3A_466 = arith.addf %add3A_464, %slice3A_465 : vector<10000xf32>
    %slice3A_467 = vector.extract_strided_slice %get3A_0 {offsets = [1122432], sizes = [10000], strides = [1]} : vector<1294336xf32> to vector<10000xf32>
    %add3A_468 = arith.addf %add3A_466, %slice3A_467 : vector<10000xf32>
    %slice3A_469 = vector.extract_strided_slice %get3A_0 {offsets = [1284224], sizes = [10000], strides = [1]} : vector<1294336xf32> to vector<10000xf32>
    %add3A_470 = arith.addf %add3A_468, %slice3A_469 : vector<10000xf32>
    %slice3A_471 = vector.extract_strided_slice %get3A_9 {offsets = [150000], sizes = [10000], strides = [1]} : vector<160000xf32> to vector<10000xf32>
    %add3A_472 = arith.addf %add3A_470, %slice3A_471 : vector<10000xf32>
    %mul3A_473 = arith.mulf %get3A_2, %add3A_472 : vector<10000xf32>
    %slice3A_474 = vector.extract_strided_slice %get3A_7 {offsets = [15], sizes = [1], strides = [1]} : vector<16xf32> to vector<1xf32>
    %squeeze3A_475 = vector.extract %slice3A_474[0] : f32 from vector<1xf32>
    %add3A_476 = vector.broadcast %squeeze3A_475 : f32 to vector<10000xf32>
    %add3A_477 = arith.addf %mul3A_473, %add3A_476 : vector<10000xf32>
    %max3A_478 = arith.constant 0.000000e+00 : f32
    %max3A_479 = vector.broadcast %max3A_478 : f32 to vector<10000xf32>
    %max3A_480 = arith.maximumf %add3A_477, %max3A_479 : vector<10000xf32>
    %slice3A_481 = vector.extract_strided_slice %get3A_5 {offsets = [15, 0], sizes = [1, 1], strides = [1, 1]} : vector<16x1xf32> to vector<1x1xf32>
    %squeeze3A_482 = vector.extract %slice3A_481[0, 0] : f32 from vector<1x1xf32>
    %mul3A_483 = vector.broadcast %squeeze3A_482 : f32 to vector<10000xf32>
    %mul3A_484 = arith.mulf %max3A_480, %mul3A_483 : vector<10000xf32>
    %add3A_485 = arith.addf %add3A_455, %mul3A_484 : vector<10000xf32>
    %mul3A_486 = arith.mulf %get3A_2, %add3A_485 : vector<10000xf32>
    %swap3A = arith.constant 0 : index
    %swap3A_487 = vector.load %arg5[%swap3A] : memref<10000xf32, #tpu.memory_space<vmem>>, vector<10000xf32>
    tpu.vector_store %arg5[%swap3A], %mul3A_486 {strides = array<i32>} : memref<10000xf32, #tpu.memory_space<vmem>>, vector<10000xf32>,
    return
  }
}

module attributes {stable_mosaic.version = 14 : i64} {
  func.func @body(%arg0: memref<323584xf32, #tpu.memory_space<vmem>>, %arg1: memref<10000xf32, #tpu.memory_space<vmem>>, %arg2: memref<10000xf32, #tpu.memory_space<vmem>>, %arg3: memref<1xf32, #tpu.memory_space<vmem>>, %arg4: memref<10000xf32, #tpu.memory_space<vmem>>) attributes {dimension_semantics = [], scalar_prefetch = 0 : i64, scratch_operands = 0 : i64, tpu.core_type = #tpu.core_type<tc>} {
    %get3A = arith.constant 0 : index
    %get3A_0 = vector.load %arg0[%get3A] : memref<323584xf32, #tpu.memory_space<vmem>>, vector<323584xf32>
    %get3A_1 = arith.constant 0 : index
    %get3A_2 = vector.load %arg1[%get3A_1] : memref<10000xf32, #tpu.memory_space<vmem>>, vector<10000xf32>
    %slice3A = vector.extract_strided_slice %get3A_0 {offsets = [0], sizes = [10000], strides = [1]} : vector<323584xf32> to vector<10000xf32>
    %add3A = arith.addf %get3A_2, %slice3A : vector<10000xf32>
    %slice3A_3 = vector.extract_strided_slice %get3A_0 {offsets = [10112], sizes = [10000], strides = [1]} : vector<323584xf32> to vector<10000xf32>
    %add3A_4 = arith.addf %add3A, %slice3A_3 : vector<10000xf32>
    %slice3A_5 = vector.extract_strided_slice %get3A_0 {offsets = [20224], sizes = [10000], strides = [1]} : vector<323584xf32> to vector<10000xf32>
    %add3A_6 = arith.addf %add3A_4, %slice3A_5 : vector<10000xf32>
    %slice3A_7 = vector.extract_strided_slice %get3A_0 {offsets = [30336], sizes = [10000], strides = [1]} : vector<323584xf32> to vector<10000xf32>
    %add3A_8 = arith.addf %add3A_6, %slice3A_7 : vector<10000xf32>
    %slice3A_9 = vector.extract_strided_slice %get3A_0 {offsets = [40448], sizes = [10000], strides = [1]} : vector<323584xf32> to vector<10000xf32>
    %add3A_10 = arith.addf %add3A_8, %slice3A_9 : vector<10000xf32>
    %slice3A_11 = vector.extract_strided_slice %get3A_0 {offsets = [50560], sizes = [10000], strides = [1]} : vector<323584xf32> to vector<10000xf32>
    %add3A_12 = arith.addf %add3A_10, %slice3A_11 : vector<10000xf32>
    %slice3A_13 = vector.extract_strided_slice %get3A_0 {offsets = [60672], sizes = [10000], strides = [1]} : vector<323584xf32> to vector<10000xf32>
    %add3A_14 = arith.addf %add3A_12, %slice3A_13 : vector<10000xf32>
    %slice3A_15 = vector.extract_strided_slice %get3A_0 {offsets = [70784], sizes = [10000], strides = [1]} : vector<323584xf32> to vector<10000xf32>
    %add3A_16 = arith.addf %add3A_14, %slice3A_15 : vector<10000xf32>
    %slice3A_17 = vector.extract_strided_slice %get3A_0 {offsets = [80896], sizes = [10000], strides = [1]} : vector<323584xf32> to vector<10000xf32>
    %add3A_18 = arith.addf %add3A_16, %slice3A_17 : vector<10000xf32>
    %slice3A_19 = vector.extract_strided_slice %get3A_0 {offsets = [91008], sizes = [10000], strides = [1]} : vector<323584xf32> to vector<10000xf32>
    %add3A_20 = arith.addf %add3A_18, %slice3A_19 : vector<10000xf32>
    %slice3A_21 = vector.extract_strided_slice %get3A_0 {offsets = [101120], sizes = [10000], strides = [1]} : vector<323584xf32> to vector<10000xf32>
    %add3A_22 = arith.addf %add3A_20, %slice3A_21 : vector<10000xf32>
    %slice3A_23 = vector.extract_strided_slice %get3A_0 {offsets = [111232], sizes = [10000], strides = [1]} : vector<323584xf32> to vector<10000xf32>
    %add3A_24 = arith.addf %add3A_22, %slice3A_23 : vector<10000xf32>
    %slice3A_25 = vector.extract_strided_slice %get3A_0 {offsets = [121344], sizes = [10000], strides = [1]} : vector<323584xf32> to vector<10000xf32>
    %add3A_26 = arith.addf %add3A_24, %slice3A_25 : vector<10000xf32>
    %slice3A_27 = vector.extract_strided_slice %get3A_0 {offsets = [131456], sizes = [10000], strides = [1]} : vector<323584xf32> to vector<10000xf32>
    %add3A_28 = arith.addf %add3A_26, %slice3A_27 : vector<10000xf32>
    %slice3A_29 = vector.extract_strided_slice %get3A_0 {offsets = [141568], sizes = [10000], strides = [1]} : vector<323584xf32> to vector<10000xf32>
    %add3A_30 = arith.addf %add3A_28, %slice3A_29 : vector<10000xf32>
    %slice3A_31 = vector.extract_strided_slice %get3A_0 {offsets = [151680], sizes = [10000], strides = [1]} : vector<323584xf32> to vector<10000xf32>
    %add3A_32 = arith.addf %add3A_30, %slice3A_31 : vector<10000xf32>
    %slice3A_33 = vector.extract_strided_slice %get3A_0 {offsets = [161792], sizes = [10000], strides = [1]} : vector<323584xf32> to vector<10000xf32>
    %add3A_34 = arith.addf %add3A_32, %slice3A_33 : vector<10000xf32>
    %slice3A_35 = vector.extract_strided_slice %get3A_0 {offsets = [171904], sizes = [10000], strides = [1]} : vector<323584xf32> to vector<10000xf32>
    %add3A_36 = arith.addf %add3A_34, %slice3A_35 : vector<10000xf32>
    %slice3A_37 = vector.extract_strided_slice %get3A_0 {offsets = [182016], sizes = [10000], strides = [1]} : vector<323584xf32> to vector<10000xf32>
    %add3A_38 = arith.addf %add3A_36, %slice3A_37 : vector<10000xf32>
    %slice3A_39 = vector.extract_strided_slice %get3A_0 {offsets = [192128], sizes = [10000], strides = [1]} : vector<323584xf32> to vector<10000xf32>
    %add3A_40 = arith.addf %add3A_38, %slice3A_39 : vector<10000xf32>
    %slice3A_41 = vector.extract_strided_slice %get3A_0 {offsets = [202240], sizes = [10000], strides = [1]} : vector<323584xf32> to vector<10000xf32>
    %add3A_42 = arith.addf %add3A_40, %slice3A_41 : vector<10000xf32>
    %slice3A_43 = vector.extract_strided_slice %get3A_0 {offsets = [212352], sizes = [10000], strides = [1]} : vector<323584xf32> to vector<10000xf32>
    %add3A_44 = arith.addf %add3A_42, %slice3A_43 : vector<10000xf32>
    %slice3A_45 = vector.extract_strided_slice %get3A_0 {offsets = [222464], sizes = [10000], strides = [1]} : vector<323584xf32> to vector<10000xf32>
    %add3A_46 = arith.addf %add3A_44, %slice3A_45 : vector<10000xf32>
    %slice3A_47 = vector.extract_strided_slice %get3A_0 {offsets = [232576], sizes = [10000], strides = [1]} : vector<323584xf32> to vector<10000xf32>
    %add3A_48 = arith.addf %add3A_46, %slice3A_47 : vector<10000xf32>
    %slice3A_49 = vector.extract_strided_slice %get3A_0 {offsets = [242688], sizes = [10000], strides = [1]} : vector<323584xf32> to vector<10000xf32>
    %add3A_50 = arith.addf %add3A_48, %slice3A_49 : vector<10000xf32>
    %slice3A_51 = vector.extract_strided_slice %get3A_0 {offsets = [252800], sizes = [10000], strides = [1]} : vector<323584xf32> to vector<10000xf32>
    %add3A_52 = arith.addf %add3A_50, %slice3A_51 : vector<10000xf32>
    %slice3A_53 = vector.extract_strided_slice %get3A_0 {offsets = [262912], sizes = [10000], strides = [1]} : vector<323584xf32> to vector<10000xf32>
    %add3A_54 = arith.addf %add3A_52, %slice3A_53 : vector<10000xf32>
    %slice3A_55 = vector.extract_strided_slice %get3A_0 {offsets = [273024], sizes = [10000], strides = [1]} : vector<323584xf32> to vector<10000xf32>
    %add3A_56 = arith.addf %add3A_54, %slice3A_55 : vector<10000xf32>
    %slice3A_57 = vector.extract_strided_slice %get3A_0 {offsets = [283136], sizes = [10000], strides = [1]} : vector<323584xf32> to vector<10000xf32>
    %add3A_58 = arith.addf %add3A_56, %slice3A_57 : vector<10000xf32>
    %slice3A_59 = vector.extract_strided_slice %get3A_0 {offsets = [293248], sizes = [10000], strides = [1]} : vector<323584xf32> to vector<10000xf32>
    %add3A_60 = arith.addf %add3A_58, %slice3A_59 : vector<10000xf32>
    %slice3A_61 = vector.extract_strided_slice %get3A_0 {offsets = [303360], sizes = [10000], strides = [1]} : vector<323584xf32> to vector<10000xf32>
    %add3A_62 = arith.addf %add3A_60, %slice3A_61 : vector<10000xf32>
    %slice3A_63 = vector.extract_strided_slice %get3A_0 {offsets = [313472], sizes = [10000], strides = [1]} : vector<323584xf32> to vector<10000xf32>
    %add3A_64 = arith.addf %add3A_62, %slice3A_63 : vector<10000xf32>
    %get3A_65 = arith.constant 0 : index
    %get3A_66 = vector.load %arg2[%get3A_65] : memref<10000xf32, #tpu.memory_space<vmem>>, vector<10000xf32>
    %mul3A = arith.mulf %get3A_66, %add3A_64 : vector<10000xf32>
    %get3A_67 = arith.constant 0 : index
    %get3A_68 = vector.load %arg3[%get3A_67] : memref<1xf32, #tpu.memory_space<vmem>>, vector<1xf32>
    %squeeze3A = vector.extract %get3A_68[0] : f32 from vector<1xf32>
    %add3A_69 = vector.broadcast %squeeze3A : f32 to vector<10000xf32>
    %add3A_70 = arith.addf %mul3A, %add3A_69 : vector<10000xf32>
    %swap3A = arith.constant 0 : index
    %swap3A_71 = vector.load %arg4[%swap3A] : memref<10000xf32, #tpu.memory_space<vmem>>, vector<10000xf32>
    tpu.vector_store %arg4[%swap3A], %add3A_70 {strides = array<i32>} : memref<10000xf32, #tpu.memory_space<vmem>>, vector<10000xf32>,
    return
  }
}

</mosaic_0001>

<sc_bundles>
// kernel: kernel.12.cloned.1.call-start
scs
__scs_entry_jumppad:
0x0: {  	(pc) =	sbr.rel $0x88, $3  }
0x1: {  	(tag) =	ssettag $0x0;
	lr =	simm.s32 $0x1  }
0x2: {  	[smem:$0x3F9A] =	sst lr;
	_ =	strace $0xD0000000  }
0x3: {  	_ = 	snop  }
0x4: {  	_ = 	snop  }
0x5: {  	_ = 	snop  }
0x6: {  	_ = 	snop  }
0x7: {  	_ = 	snop  }
__scs_overlays_trampoline_lowered:
0x8: {  	[smem:$0x3FA9] =	sst s0  }
0x9: {  	[smem:$0x3FAA] =	sst s1  }
0xa: {  	[smem:$0x3FAB] =	sst s2  }
0xb: {  	[smem:$0x3FAC] =	sst s3  }
0xc: {  	[smem:$0x3FAD] =	sst s4  }
0xd: {  	[smem:$0x3FAE] =	sst s5  }
0xe: {  	[smem:$0x3FAF] =	sst s6  }
0xf: {  	[smem:$0x3FB0] =	sst s7  }
0x10: {  	[smem:$0x3FB1] =	sst s8  }
0x11: {  	[smem:$0x3FB2] =	sst s9;
	s0 =	simm.s32 @!p0 $0x0  }
0x12: {  	s1 =	sld [smem:$0x3F98];
	s0 =	simm.s32 @p0 $0x1  }
0x13: {  	[smem:$0x3FB3] =	sst s0;
	s0 =	simm.s32 @!p1 $0x0  }
0x14: {  	s2 =	sld [smem:$0x3F97];
	s0 =	simm.s32 @p1 $0x1  }
0x15: {  	[smem:$0x3FB4] =	sst s0;
	s0 =	simm.s32 @!p2 $0x0  }
0x16: {  	s3 =	sld [smem:$0x3FDB];
	s0 =	simm.s32 @p2 $0x1  }
0x17: {  	s4 =	simm.s32 $0x1BF5;
	[smem:$0x3FB6] =	sst s0  }
0x18: {  	s0 =	sld [smem:$0x3F99];
	_ =	swait.ge [sflag:s4], $0x0  }
0x19: {  	s7 =	sld [smem:$0x3F9A]  }
0x1a: {  	s8 =	sadd.s32 $0xFFFFE003, lr  }
0x1b: {  	s9 =	sadd.s32 $0xFFFFFEF7, lr;
	s5 =	simm.s32 $0xFFFFFFFF;
	p2 =	slt.u32 s8, $0xFFFFF086  }
0x1c: {  	p1 =	slt.u32 s9, $0xF7A;
	s5 =	simm.s32 @!p2 $0x0  }
0x1d: {  	s5 =	simm.s32 @p1 $0x1;
	p0 =	seq.s32 s7, s2  }
0x1e: {  	s7 =	smul.u32 @!p0 $0xF7A, s2;
	p2 =	seq.s32 @!p0 s5, $0x0  }
0x1f: {  	s9 =	smul.u32 $0xF7A, s1;
	s8 =	simm.s32 @!p0 $0x1BF5;
	p2 =	por !p2, p0  }
0x20: {  	[sflag:s8] =	ssyncset.s32 @!p0 $0xFFFFF086;
	s6 =	sadd.s32 @!p0 s3, s7;
	s7 =	simm.s32 @!p0 $0x108  }
0x21: {  	s3 =	sadd.s32 s3, s9;
	s6 =	sadd.s32 @!p0 $0x88, s6;
	s7 =	simm.s32 @p2 $0x1082  }
0x22: {  	[simem:s7], [sflag:s8] =	dma.local @!p0 [hbm:s6], $0xF7A  }
0x23: {  	s9 =	sor.u32 $0xD0000000, s2;
	s6 =	simm.s32 $0x108;
	_ =	swait.ge @!p0 [sflag:s8], $0x0  }
0x24: {  	s3 =	sadd.s32 $0x88, s3;
	s6 =	simm.s32 @!p1 $0x1082;
	[sflag:s4] =	ssyncset.s32 $0xFFFFF086  }
0x25: {  	[simem:s6], [sflag:s4] =	dma.local [hbm:s3], $0xF7A  }
0x26: {  	[smem:$0x3F9A] =	sst s1;
	(tag) =	ssettag s2;
	_ =	strace s9  }
0x27: {  	s1 =	sld [smem:$0x3FAA]  }
0x28: {  	s2 =	sld [smem:$0x3FAB]  }
0x29: {  	s4 =	sld [smem:$0x3FAD]  }
0x2a: {  	p0 =	seq.s32 s5, $0x0;
	s5 =	sld [smem:$0x3FAE]  }
0x2b: {  	s6 =	sld [smem:$0x3FAF]  }
0x2c: {  	s7 =	sld [smem:$0x3FB0]  }
0x2d: {  	s3 =	simm.s32 $0x108;
	s8 =	sld [smem:$0x3FB1]  }
0x2e: {  	s3 =	simm.s32 @!p0 $0x1082;
	s9 =	sld [smem:$0x3FB2]  }
0x2f: {  	lr =	sadd.s32 s0, s3;
	s0 =	sld [smem:$0x3FA9]  }
0x30: {  	s3 =	sld [smem:$0x3FAC]  }
0x31: {  	[smem:$0x3FB5] =	sst s10  }
0x32: {  	s10 =	sld [smem:$0x3FB3];
	_ =	sdelay $0x3  }
0x33: {  	p0 =	seq.s32 s10, $0x1;
	s10 =	sld [smem:$0x3FB5];
	_ =	sdelay $0x3  }
0x34: {  	[smem:$0x3FB5] =	sst s10  }
0x35: {  	s10 =	sld [smem:$0x3FB4];
	_ =	sdelay $0x3  }
0x36: {  	p1 =	seq.s32 s10, $0x1;
	s10 =	sld [smem:$0x3FB5];
	_ =	sdelay $0x3  }
0x37: {  	[smem:$0x3FB5] =	sst s10  }
0x38: {  	s10 =	sld [smem:$0x3FB6]  }
0x39: {  	_ = 	snop;
	(pc) =	sbr.ind lr, $3  }
0x3a: {  	_ = 	snop  }
0x3b: {  	_ = 	snop  }
0x3c: {  	p2 =	seq.s32 s10, $0x1;
	s10 =	sld [smem:$0x3FB5]  }
0x3d: {  	_ =	shalt  }
0x3e: {  	_ =	shalt  }
0x3f: {  	_ =	shalt  }
0x40: {  	_ =	shalt  }
0x41: {  	_ =	shalt  }
0x42: {  	_ =	shalt  }
0x43: {  	_ =	shalt  }
0x44: {  	_ =	shalt  }
0x45: {  	_ =	shalt  }
0x46: {  	_ =	shalt  }
0x47: {  	_ =	shalt  }
0x48: {  	_ =	shalt  }
0x49: {  	_ =	shalt  }
0x4a: {  	_ =	shalt  }
0x4b: {  	_ =	shalt  }
0x4c: {  	_ =	shalt  }
0x4d: {  	_ =	shalt  }
0x4e: {  	_ =	shalt  }
0x4f: {  	_ =	shalt  }
0x50: {  	_ =	shalt  }
0x51: {  	_ =	shalt  }
0x52: {  	_ =	shalt  }
0x53: {  	_ =	shalt  }
0x54: {  	_ =	shalt  }
0x55: {  	_ =	shalt  }
0x56: {  	_ =	shalt  }
0x57: {  	_ =	shalt  }
0x58: {  	_ =	shalt  }
0x59: {  	_ =	shalt  }
0x5a: {  	_ =	shalt  }
0x5b: {  	_ =	shalt  }
0x5c: {  	_ =	shalt  }
0x5d: {  	_ =	shalt  }
0x5e: {  	_ =	shalt  }
0x5f: {  	_ =	shalt  }
0x60: {  	_ =	shalt  }
0x61: {  	_ =	shalt  }
0x62: {  	_ =	shalt  }
0x63: {  	_ =	shalt  }
0x64: {  	_ =	shalt  }
0x65: {  	_ =	shalt  }
0x66: {  	_ =	shalt  }
0x67: {  	_ =	shalt  }
0x68: {  	_ =	shalt  }
0x69: {  	_ =	shalt  }
0x6a: {  	_ =	shalt  }
0x6b: {  	_ =	shalt  }
0x6c: {  	_ =	shalt  }
0x6d: {  	_ =	shalt  }
0x6e: {  	_ =	shalt  }
0x6f: {  	_ =	shalt  }
0x70: {  	_ =	shalt  }
0x71: {  	_ =	shalt  }
0x72: {  	_ =	shalt  }
0x73: {  	_ =	shalt  }
0x74: {  	_ =	shalt  }
0x75: {  	_ =	shalt  }
0x76: {  	_ =	shalt  }
0x77: {  	_ =	shalt  }
0x78: {  	_ =	shalt  }
0x79: {  	_ =	shalt  }
0x7a: {  	_ =	shalt  }
0x7b: {  	_ =	shalt  }
0x7c: {  	_ =	shalt  }
0x7d: {  	_ =	shalt  }
0x7e: {  	_ =	shalt  }
0x7f: {  	_ =	shalt  }
0x80: {  	_ =	shalt  }
0x81: {  	_ =	shalt  }
0x82: {  	_ =	shalt  }
0x83: {  	_ =	shalt  }
0x84: {  	_ =	shalt  }
0x85: {  	_ =	shalt  }
0x86: {  	_ =	shalt  }
0x87: {  	_ =	shalt  }
.Lfunc_end0:
.L_simem_size_0:
called_computation.1_lowered:
.L_overlay_start_0:
0x88: {  	s2 =	sld [smem:$0x3FD9]  }
0x89: {  	s3 =	sld [smem:$0x3FFE];
	_ =	sdelay $0x1  }
0x8a: {  	s1 =	srdreg.scid  }
0x8b: {  	s0 =	sand.u32 $0x1, s1  }
0x8c: {  	s17 =	sshll.u32 s0, $0xA;
	s2 =	sadd.s32 s3, s2  }
0x8d: {  	s2 =	sadd.s32 s2, s17  }
0x8e: {  	[smem:$0x3FC1] =	sst s2  }
0x8f: {  	_ = 	snop  }
0x90: {  	s2 =	sld [smem:$0x3FC7];
	(tm) =	ssettm $0x1  }
0x91: {  	s18 =	sld [smem:$0x3FFB];
	_ =	sdelay $0x3  }
0x92: {  	_ =	strace s18  }
0x93: {  	s3 =	sld [smem:$0x3FFC];
	_ =	sdelay $0x3  }
0x94: {  	_ =	strace s3  }
0x95: {  	s3 =	sld [smem:$0x3FFD];
	_ =	sdelay $0x3  }
0x96: {  	_ =	strace s3  }
0x97: {  	_ =	strace $0x8FFFFFFF  }
0x98: {  	s19 =	sld [smem:$0x3FDB];
	_ =	sdelay $0x1  }
0x99: {  	s4 =	simm.s32 $_scs_section_size  }
0x9a: {  	s5 =	simm.s32 $_size__tile_overlayer_lowered;
	s6 =	simm.s32 $_tile_overlayer_lowered  }
0x9b: {  	s22 =	simm.s32 $0x1BFF;
	s21 =	sshll.u32 s6, $0x1;
	s3 =	sadd.s32 s4, s19  }
0x9c: {  	s7 =	simm.s32 $0x0;
	s20 =	sshll.u32 s5, $0x1;
	s5 =	sadd.s32 s21, s3  }
0x9d: {  	[timem:s7], [sflag:s22] =	dma.local [hbm:s5], s20  }
0x9e: {  	_ =	swait.ge [sflag:s22], s20  }
0x9f: {  	s4 =	ssub.s32 $0x0, s20;
	[sflag:s22] =	ssyncset.done $0x0  }
0xa0: {  	[sflag:s22] =	ssyncadd.s32 s4;
	_ =	sdelay $0x1  }
0xa1: {  	s23 =	simm.s32 $0x1B8B  }
0xa2: {  	_ =	swait.ge [sflag:s23], $0x1  }
0xa3: {  	[sflag:s23] =	ssyncset.done $0x0  }
0xa4: {  	s25 =	simm.s32 $0x1B8E;
	s24 =	sld [smem:$0x3FFE];
	[sflag:s23] =	ssyncadd.s32 $0xFFFFFFFF  }
0xa5: {  	s26 =	simm.s32 $execute0_lowered;
	[smem:$0x3FD2] =	sst s25  }
0xa6: {  	s5 =	sshll.u32 s26, $0x1;
	_ =	strace $0x80000049;
	[dreg:$0x1] =	wrdreg $0xFFFFFFFF  }
0xa7: {  	s28 =	simm.s32 $_size_execute0_lowered;
	s3 =	sadd.s32 s3, s5;
	[dreg:$0x0] =	wrdreg $0x0  }
0xa8: {  	s5 =	sshll.u32 s28, $0x1;
	[dreg:$0x2] =	wrdreg s3  }
0xa9: {  	[dreg:$0x3] =	wrdreg s5  }
0xaa: {  	[dreg:$0x4] =	wrdreg $0xC0  }
0xab: {  	_ =	task [dreg:s7], $0x5FFFF  }
0xac: {  	[dreg:$0x1] =	wrdreg $0xFFFFFFFF  }
0xad: {  	[dreg:$0x0] =	wrdreg $0x60  }
0xae: {  	[dreg:$0x2] =	wrdreg s24  }
0xaf: {  	[dreg:$0x3] =	wrdreg s2  }
0xb0: {  	[dreg:$0x4] =	wrdreg $0x9  }
0xb1: {  	_ =	task.clear_ibuf [dreg:s7], $0x5FFFF;
	_ =	strace $0x90000049  }
0xb2: {  	s29 =	simm.s32 $0x9;
	_ =	strace $0x8000004B  }
0xb3: {  	_ =	swait.ge [sflag:s29], $0x1  }
0xb4: {  	[sflag:s29] =	ssyncadd.s32 $0xFFFFFFFF  }
0xb5: {  	_ =	strace $0x9000004B  }
0xb6: {  	_ =	sfence  }
0xb7: {  	s30 =	sld [smem:$0x0];
	_ =	sdelay $0x2  }
0xb8: {  	s31 =	sshll.u32 s1, $0xD;
	s1 =	sshrl.u32 s1, $0x2  }
0xb9: {  	s3 =	sand.u32 $0x4000, s31;
	s1 =	sadd.s32 s1, s30  }
0xba: {  	s0 =	sor.u32 s3, s0;
	s1 =	sshll.u32 s1, $0x11  }
0xbb: {  	s0 =	sor.u32 s1, s0  }
0xbc: {  	s0 =	sadd.s32 $0x8F2B, s0  }
0xbd: {  	[sflag:s0] =	ssyncadd.remote.s32 $0x1  }
0xbe: {  	_ =	sfence.sel $0xFFFF  }
0xbf: {  	[dreg:$0x0] =	wrdreg $0xFFFFFFFF;
	(pc) =	sbr.abs _section_cstart, $3  }
0xc0: {  	[dreg:$0x1] =	wrdreg $0xFFFFFFFF  }
0xc1: {  	_ =	task.clear_ibuf [dreg:s7], $0x2FFFF;
	_ =	strace $0x9FFFFFFF  }
0xc2: {  	(tm) =	ssettm $0x7FFFFFFF  }
0xc3: {  	_ =	shalt  }
tec
execute0_lowered:
.L_overlay_start_1:
0x0: {  	(tag) =	ssettag $0x1  }
0x1: {  	s0 =	rddreg [dreg:$0x0]  }
0x2: {  	s1 =	srdreg.scid;
	s8 =	stileid.u32  }
0x3: {  	s2 =	rddreg [dreg:$0x1];
	s3 =	simm.s32 $0x0;
	s16 =	simm.s32 $0x178C0  }
0x4: {  	s17 =	simm.s32 $0x3;
	s18 =	simm.s32 $0x1;
	s19 =	simm.s32 $0x149E0  }
0x5: {  	s20 =	simm.s32 $0x16920;
	s21 =	simm.s32 $0x18860;
	s22 =	simm.s32 $0x9C40  }
0x6: {  	s23 =	simm.s32 $0x2;
	s24 =	simm.s32 $0x4;
	s25 =	simm.s32 $0x0  }
0x7: {  	s26 =	simm.s32 $0x0;
	s4 =	sshll.u32 s8, $0x1;
	s8 =	sshrl.u32 s8, $0x1  }
0x8: {  	s1 =	sand.u32 $0x1, s1;
	[smem:$0x7FF] =	sst s3;
	s10 =	smul.u32 $0x1388, s8  }
0x9: {  	s6 =	sor.u32 s1, s4;
	_ =	strace $0x8000004A;
	s11 =	smul.u32 $0xA, s8  }
0xa: {  	s1 =	ssub.s32 $0x2, s1;
	s5 =	sand.u32 $0x3, s6;
	s6 =	smul.u32 $0x13C0, s6  }
0xb: {  	s4 =	sadd.s32 $0xD000, s0;
	s31 =	sshrl.u32 s1, $0x1;
	s7 =	smul.u32 $0x1388, s5  }
0xc: {  	s5 =	sadd.s32 $0x3200, s0;
	s1 =	ssub.s32 s1, s31;
	s8 =	sadd.s32 s2, s10  }
0xd: {  	s13 =	smax.u32 s1, $0x1;
	s9 =	sadd.s32 s7, s0;
	s0 =	sadd.s32 s6, s0  }
0xe: {  	s6 =	sadd.s32 s4, s10;
	s7 =	sadd.s32 s5, s10;
	s10 =	sor.u32 $0x1, s11  }
0xf: {  	v0 =	vimm.f32 $0.0e+00;
	s11 =	sadd.s32 $0x2, s11;
	s9 =	sadd.s32 $0x16E00, s9;
	s12 =	sadd.s32 $0x1BE00, s0  }
.LBB2_1:
0x10: {  	s0 =	simm.s32 $0x13A40  }
0x11: {  	[tilespmem:s0], [sflag:$0x1] =	stream.linear.gather [hbm4b:s6+s3], $0xFA0, $0x38;
	[tilespmem:$0x19800] =	vst v63  }
0x12: {  	s31 =	simm.s32 $0x15980  }
0x13: {  	[tilespmem:s31], [sflag:$0x1] =	stream.linear.gather [hbm4b:s7+s3], $0xFA0, $0x38;
	[tilespmem:$0x19800] =	vst v63  }
0x14: {  	_ = 	snop  }
0x15: {  	[tilespmem:s16], [sflag:$0x1] =	stream.linear.gather [hbm4b:s8+s3], $0xFA0, $0x38;
	[tilespmem:$0x19800] =	vst v63  }
0x16: {  	s0 =	simm.s32 $0x9C80  }
0x17: {  	[tilespmem:s3], [sflag:$0x3] =	stream.linear.gather [hbm4b:s9+s3], $0x9C40, $0x38;
	[tilespmem:$0x19800] =	vst v63  }
0x18: {  	[tilespmem:s0+$0xFFFFFFC0] =	vst v0  }
0x19: {  	[tilespmem:s0+$0x30] =	vst v0  }
0x1a: {  	[tilespmem:s0+$0x20] =	vst v0  }
0x1b: {  	[tilespmem:s0+$0x10] =	vst v0  }
0x1c: {  	[tilespmem:s0+$0x0] =	vst v0  }
0x1d: {  	[tilespmem:s0+$0xFFFFFFF0] =	vst v0  }
0x1e: {  	s1 =	simm.s32 $0x0;
	[tilespmem:s0+$0xFFFFFFE0] =	vst v0  }
.LBB2_2:
0x1f: {  	s1 =	sadd.s32 $0x8, s1;
	[tilespmem:s0+$0xFFFFFFD0] =	vst v0;
	s0 =	sadd.s32 $0x80, s0  }
0x20: {  	[tilespmem:s0+$0xFFFFFFC0] =	vst v0;
	p0 =	slt.u32 s1, $0x9D8  }
0x21: {  	[tilespmem:s0+$0x30] =	vst v0  }
.Ltmp0:
0x22: {  	[tilespmem:s0+$0x20] =	vst v0;
	(pc) =	sbr.rel @p0 .LBB2_2-.Ltmp0, $4  }
0x23: {  	[tilespmem:s0+$0x10] =	vst v0  }
0x24: {  	[tilespmem:s0+$0x0] =	vst v0  }
0x25: {  	[tilespmem:s0+$0xFFFFFFF0] =	vst v0  }
0x26: {  	[tilespmem:s0+$0xFFFFFFE0] =	vst v0  }
0x27: {  	[tilespmem:s0+$0xFFFFFFD0] =	vst v0  }
0x28: {  	_ =	swait.ge [sflag:s17], $0x9C40  }
0x29: {  	[sflag:s17] =	ssyncset.done $0x0  }
0x2a: {  	s28 =	simm.s32 $0x0;
	[sflag:s17] =	ssyncadd.s32 $0xFFFF63C0  }
.LBB2_4:
0x2b: {  	_ =	swait.ge [sflag:s18], $0xFA0  }
0x2c: {  	[sflag:s18] =	ssyncset.done $0x0  }
0x2d: {  	[sflag:s18] =	ssyncadd.s32 $0xFFFFF060  }
0x2e: {  	_ =	swait.ge [sflag:s18], $0xFA0  }
0x2f: {  	s29 =	sshll.u32 s28, $0x1;
	[sflag:s18] =	ssyncset.done $0x0  }
0x30: {  	s0 =	sadd.s32 s29, s10;
	[sflag:s18] =	ssyncadd.s32 $0xFFFFF060  }
0x31: {  	s0 =	smul.u32 $0x1F4, s0;
	_ =	swait.ge [sflag:s18], $0xFA0  }
0x32: {  	[sflag:s18] =	ssyncset.done $0x0  }
0x33: {  	s1 =	sadd.s32 s4, s0;
	[sflag:s18] =	ssyncadd.s32 $0xFFFFF060  }
0x34: {  	[tilespmem:s19], [sflag:$0x2] =	stream.linear.gather [hbm4b:s1+s3], $0xFA0, $0x38;
	[tilespmem:$0x19800] =	vst v63  }
0x35: {  	s14 =	sadd.s32 s5, s0  }
0x36: {  	[tilespmem:s20], [sflag:$0x2] =	stream.linear.gather [hbm4b:s14+s3], $0xFA0, $0x38;
	[tilespmem:$0x19800] =	vst v63  }
0x37: {  	s15 =	simm.s32 $0x13A60;
	s0 =	sadd.s32 s2, s0  }
0x38: {  	[tilespmem:s21], [sflag:$0x2] =	stream.linear.gather [hbm4b:s0+s3], $0xFA0, $0x38;
	[tilespmem:$0x19800] =	vst v63  }
0x39: {  	v4 =	vld [tilespmem:s15+$0x10];
	_ =	sdelay $0x3  }
0x3a: {  	v5 =	vld [tilespmem:s15+$0xFFFFFFF0]  }
0x3b: {  	s30 =	simm.s32 $0x159A0;
	v6 =	vld [tilespmem:s15+$0xFFFFFFE0]  }
0x3c: {  	s31 =	simm.s32 $0x178E0;
	v8 =	vld [tilespmem:s30+$0x10]  }
0x3d: {  	v9 =	vld [tilespmem:s31+$0x10]  }
0x3e: {  	v2 =	vld.idx.msk [tilespmem:v4+s26+$0x0], $0xffff  }
0x3f: {  	v7 =	vld [tilespmem:s15+$0x0]  }
0x40: {  	v1 =	vld [tilespmem:s31+$0xFFFFFFE0]  }
0x41: {  	v15 =	vld [tilespmem:s30+$0xFFFFFFE0];
	v3 =	vadd.s32 $0x2710, v4  }
0x42: {  	v16 =	vld [tilespmem:s30+$0xFFFFFFF0]  }
0x43: {  	v17 =	vld [tilespmem:s30+$0x0];
	v13 =	vmul.f32 v2, v9  }
0x44: {  	v11 =	vld.idx.msk [tilespmem:v6+s26+$0x0], $0xffff  }
0x45: {  	[tilespmem:v8+s22+$0x0] =	vst.idx.add.f32.msk $0xffff, v13  }
0x46: {  	v13 =	vld.idx.msk [tilespmem:v3+s26+$0x0], $0xffff  }
0x47: {  	v10 =	vld.idx.msk [tilespmem:v5+s26+$0x0], $0xffff  }
0x48: {  	v14 =	vadd.s32 $0x2780, v8;
	v12 =	vld.idx.msk [tilespmem:v7+s26+$0x0], $0xffff  }
0x49: {  	v18 =	vadd.s32 $0x4E20, v4;
	v2 =	vld [tilespmem:s31+$0xFFFFFFF0]  }
0x4a: {  	v19 =	vadd.s32 $0x2710, v6;
	v11 =	vmul.f32 v11, v1;
	v3 =	vld [tilespmem:s31+$0x0]  }
0x4b: {  	v13 =	vmul.f32 v13, v9  }
0x4c: {  	[tilespmem:v15+s22+$0x0] =	vst.idx.add.f32.msk $0xffff, v11  }
0x4d: {  	[tilespmem:v14+s22+$0x0] =	vst.idx.add.f32.msk $0xffff, v13;
	v13 =	vadd.s32 $0x2710, v5  }
0x4e: {  	v60 =	vadd.s32 $0x2710, v7;
	v10 =	vmul.f32 v10, v2;
	v14 =	vld.idx.msk [tilespmem:v18+s26+$0x0], $0xffff  }
0x4f: {  	v11 =	vld.idx.msk [tilespmem:v19+s26+$0x0], $0xffff;
	v12 =	vmul.f32 v12, v3  }
0x50: {  	[tilespmem:v16+s22+$0x0] =	vst.idx.add.f32.msk $0xffff, v10;
	v10 =	vadd.s32 $0x4F00, v8  }
0x51: {  	v4 =	vadd.s32 $0x7530, v4;
	[tilespmem:v17+s22+$0x0] =	vst.idx.add.f32.msk $0xffff, v12  }
0x52: {  	v12 =	vld.idx.msk [tilespmem:v13+s26+$0x0], $0xffff  }
0x53: {  	v18 =	vld.idx.msk [tilespmem:v60+s26+$0x0], $0xffff;
	v13 =	vadd.s32 $0x2780, v15;
	v14 =	vmul.f32 v14, v9  }
0x54: {  	v61 =	vadd.s32 $0x2780, v16  }
0x55: {  	v20 =	vadd.s32 $0x2780, v17;
	[tilespmem:v10+s22+$0x0] =	vst.idx.add.f32.msk $0xffff, v14  }
0x56: {  	v14 =	vadd.s32 $0x4E20, v6;
	v21 =	vld.idx.msk [tilespmem:v4+s26+$0x0], $0xffff;
	v4 =	vmul.f32 v11, v1  }
0x57: {  	v11 =	vadd.s32 $0x4E20, v5;
	v10 =	vmul.f32 v12, v2  }
0x58: {  	v62 =	vadd.s32 $0x7680, v8;
	v12 =	vmul.f32 v18, v3;
	[tilespmem:v13+s22+$0x0] =	vst.idx.add.f32.msk $0xffff, v4  }
0x59: {  	[tilespmem:v61+s22+$0x0] =	vst.idx.add.f32.msk $0xffff, v10  }
0x5a: {  	v8 =	vadd.s32 $0x7680, v16;
	v4 =	vadd.s32 $0x7530, v5;
	[tilespmem:v20+s22+$0x0] =	vst.idx.add.f32.msk $0xffff, v12  }
0x5b: {  	v5 =	vadd.s32 $0x7530, v7;
	v10 =	vadd.s32 $0x4E20, v7;
	v14 =	vld.idx.msk [tilespmem:v14+s26+$0x0], $0xffff;
	v63 =	vmul.f32 v21, v9  }
0x5c: {  	v7 =	vadd.s32 $0x7530, v6;
	v12 =	vadd.s32 $0x4F00, v15;
	v6 =	vadd.s32 $0x7680, v15;
	v15 =	vld.idx.msk [tilespmem:v11+s26+$0x0], $0xffff  }
0x5d: {  	s14 =	simm.s32 $0x0;
	s0 =	simm.s32 $0x0;
	s15 =	simm.s32 $0x13AA0;
	v13 =	vadd.s32 $0x4F00, v16;
	v11 =	vadd.s32 $0x4F00, v17;
	v9 =	vadd.s32 $0x7680, v17;
	[tilespmem:v62+s22+$0x0] =	vst.idx.add.f32.msk $0xffff, v63  }
.LBB2_5:
0x5e: {  	v16 =	vld [tilespmem:s15+$0x10];
	s14 =	sadd.s32 $0x4, s14  }
0x5f: {  	v17 =	vld [tilespmem:s15+$0xFFFFFFF0];
	p0 =	slt.u32 s14, $0xF4  }
0x60: {  	v18 =	vld [tilespmem:s15+$0x0]  }
0x61: {  	v14 =	vmul.f32 v14, v1;
	v19 =	vld [tilespmem:s15+$0xFFFFFFE0]  }
0x62: {  	v15 =	vmul.f32 v15, v2;
	v20 =	vld.idx.msk [tilespmem:v10+s0+$0x0], $0xffff  }
0x63: {  	[tilespmem:v12+s22+$0x0] =	vst.idx.add.f32.msk $0xffff, v14  }
0x64: {  	s30 =	sadd.s32 $0x40, s30;
	v14 =	vadd.s32 $0x2710, v17;
	v21 =	vadd.s32 $0x4E20, v17;
	v22 =	vadd.s32 $0x7530, v17;
	[tilespmem:v13+s22+$0x0] =	vst.idx.add.f32.msk $0xffff, v15  }
0x65: {  	s1 =	simm.s32 $0x0;
	v15 =	vadd.s32 $0x2710, v18;
	v10 =	vadd.s32 $0x4E20, v18;
	v23 =	vadd.s32 $0x7530, v18;
	v24 =	vld [tilespmem:s30+$0x10]  }
0x66: {  	s31 =	sadd.s32 $0x40, s31;
	v25 =	vadd.s32 $0x2710, v19;
	v26 =	vadd.s32 $0x4E20, v19;
	v12 =	vadd.s32 $0x7530, v19;
	v13 =	vld.idx.msk [tilespmem:v16+s1+$0x0], $0xffff  }
0x67: {  	v27 =	vld [tilespmem:s31+$0x10]  }
0x68: {  	v20 =	vmul.f32 v20, v3;
	v17 =	vld.idx.msk [tilespmem:v17+s1+$0x0], $0xffff  }
0x69: {  	v19 =	vld.idx.msk [tilespmem:v19+s1+$0x0], $0xffff  }
0x6a: {  	v28 =	vadd.s32 $0x2710, v16;
	v18 =	vld.idx.msk [tilespmem:v18+s1+$0x0], $0xffff  }
0x6b: {  	v29 =	vld [tilespmem:s31+$0xFFFFFFE0]  }
0x6c: {  	v30 =	vld [tilespmem:s31+$0xFFFFFFF0];
	v13 =	vmul.f32 v13, v27  }
0x6d: {  	v31 =	vld [tilespmem:s31+$0x0]  }
0x6e: {  	[tilespmem:v24+s22+$0x0] =	vst.idx.add.f32.msk $0xffff, v13  }
0x6f: {  	v13 =	vld.idx.msk [tilespmem:v28+s1+$0x0], $0xffff  }
0x70: {  	v28 =	vld [tilespmem:s30+$0xFFFFFFE0];
	v19 =	vmul.f32 v19, v29  }
0x71: {  	v32 =	vld [tilespmem:s30+$0xFFFFFFF0];
	v17 =	vmul.f32 v17, v30  }
0x72: {  	v34 =	vadd.s32 $0x2780, v24;
	v33 =	vld [tilespmem:s30+$0x0];
	v18 =	vmul.f32 v18, v31  }
0x73: {  	v35 =	vadd.s32 $0x4E20, v16;
	[tilespmem:v11+s22+$0x0] =	vst.idx.add.f32.msk $0xffff, v20  }
0x74: {  	v20 =	vld.idx.msk [tilespmem:v7+s0+$0x0], $0xffff;
	v7 =	vmov v12  }
0x75: {  	v37 =	vmul.f32 v13, v27;
	v36 =	vadd.s32 $0x2780, v28;
	v12 =	vadd.s32 $0x4F00, v28;
	v38 =	vld.idx.msk [tilespmem:v4+s0+$0x0], $0xffff;
	v4 =	vmovc v22  }
0x76: {  	v22 =	vadd.s32 $0x7680, v28;
	v39 =	vadd.s32 $0x2780, v32;
	v13 =	vadd.s32 $0x4F00, v32;
	v40 =	vld.idx.msk [tilespmem:v5+s0+$0x0], $0xffff;
	v5 =	vmovc v23;
	s0 =	smov.u32 s1  }
0x77: {  	v23 =	vadd.s32 $0x7680, v32;
	v41 =	vadd.s32 $0x2780, v33;
	v11 =	vadd.s32 $0x4F00, v33;
	[tilespmem:v34+s22+$0x0] =	vst.idx.add.f32.msk $0xffff, v37  }
0x78: {  	v34 =	vadd.s32 $0x7680, v33;
	v35 =	vld.idx.msk [tilespmem:v35+s0+$0x0], $0xffff  }
0x79: {  	[tilespmem:v28+s22+$0x0] =	vst.idx.add.f32.msk $0xffff, v19  }
0x7a: {  	[tilespmem:v32+s22+$0x0] =	vst.idx.add.f32.msk $0xffff, v17;
	v17 =	vmul.f32 v20, v1;
	v1 =	vmov v29  }
0x7b: {  	v19 =	vmul.f32 v38, v2;
	v2 =	vmov v30;
	[tilespmem:v33+s22+$0x0] =	vst.idx.add.f32.msk $0xffff, v18;
	v18 =	vadd.s32 $0x4F00, v24  }
0x7c: {  	v16 =	vadd.s32 $0x7530, v16;
	v20 =	vld.idx.msk [tilespmem:v25+s0+$0x0], $0xffff;
	v25 =	vmul.f32 v40, v3;
	v3 =	vmov v31  }
0x7d: {  	v14 =	vld.idx.msk [tilespmem:v14+s0+$0x0], $0xffff  }
0x7e: {  	v28 =	vmul.f32 v35, v27;
	v15 =	vld.idx.msk [tilespmem:v15+s0+$0x0], $0xffff  }
0x7f: {  	[tilespmem:v6+s22+$0x0] =	vst.idx.add.f32.msk $0xffff, v17;
	v6 =	vmov v22  }
0x80: {  	[tilespmem:v18+s22+$0x0] =	vst.idx.add.f32.msk $0xffff, v28  }
0x81: {  	v16 =	vld.idx.msk [tilespmem:v16+s0+$0x0], $0xffff  }
0x82: {  	v17 =	vmul.f32 v20, v1;
	[tilespmem:v8+s22+$0x0] =	vst.idx.add.f32.msk $0xffff, v19;
	v8 =	vmov v23  }
0x83: {  	v14 =	vmul.f32 v14, v2;
	[tilespmem:v9+s22+$0x0] =	vst.idx.add.f32.msk $0xffff, v25;
	v9 =	vmov v34  }
0x84: {  	v15 =	vmul.f32 v15, v3;
	[tilespmem:v36+s22+$0x0] =	vst.idx.add.f32.msk $0xffff, v17;
	v17 =	vadd.s32 $0x7680, v24  }
.Ltmp1:
0x85: {  	[tilespmem:v39+s22+$0x0] =	vst.idx.add.f32.msk $0xffff, v14;
	(pc) =	sbr.rel @p0 .LBB2_5-.Ltmp1, $4  }
0x86: {  	[tilespmem:v41+s22+$0x0] =	vst.idx.add.f32.msk $0xffff, v15  }
0x87: {  	v16 =	vmul.f32 v16, v27;
	v14 =	vld.idx.msk [tilespmem:v26+s0+$0x0], $0xffff  }
0x88: {  	v15 =	vld.idx.msk [tilespmem:v21+s0+$0x0], $0xffff  }
0x89: {  	s15 =	sadd.s32 $0x40, s15;
	[tilespmem:v17+s22+$0x0] =	vst.idx.add.f32.msk $0xffff, v16  }
0x8a: {  	_ =	sdelay $0x3  }
0x8b: {  	v10 =	vld.idx.msk [tilespmem:v10+s0+$0x0], $0xffff  }
0x8c: {  	v14 =	vmul.f32 v14, v1  }
0x8d: {  	v15 =	vmul.f32 v15, v2  }
0x8e: {  	[tilespmem:v12+s22+$0x0] =	vst.idx.add.f32.msk $0xffff, v14  }
0x8f: {  	[tilespmem:v13+s22+$0x0] =	vst.idx.add.f32.msk $0xffff, v15  }
0x90: {  	v10 =	vmul.f32 v10, v3;
	v7 =	vld.idx.msk [tilespmem:v7+s0+$0x0], $0xffff  }
0x91: {  	v4 =	vld.idx.msk [tilespmem:v4+s0+$0x0], $0xffff  }
0x92: {  	[tilespmem:v11+s22+$0x0] =	vst.idx.add.f32.msk $0xffff, v10  }
0x93: {  	v5 =	vld.idx.msk [tilespmem:v5+s0+$0x0], $0xffff;
	_ =	sdelay $0x2  }
0x94: {  	v1 =	vmul.f32 v7, v1  }
0x95: {  	v2 =	vmul.f32 v4, v2  }
0x96: {  	[tilespmem:v6+s22+$0x0] =	vst.idx.add.f32.msk $0xffff, v1;
	v3 =	vmul.f32 v5, v3  }
0x97: {  	[tilespmem:v8+s22+$0x0] =	vst.idx.add.f32.msk $0xffff, v2  }
0x98: {  	[tilespmem:v9+s22+$0x0] =	vst.idx.add.f32.msk $0xffff, v3  }
.LBB2_7:
0x99: {  	s0 =	sshra.s32 s1, $0x2  }
0x9a: {  	v1 =	vld [tilespmem:s0+$0x149C0];
	_ =	sdelay $0x5  }
0x9b: {  	v2 =	vld [tilespmem:s0+$0x16900]  }
0x9c: {  	v3 =	vld [tilespmem:s0+$0x18840]  }
0x9d: {  	v4 =	vld.idx.msk [tilespmem:v1+s3+$0x0], $0xffff;
	_ =	sdelay $0x2  }
0x9e: {  	v5 =	vadd.s32 $0x2710, v1;
	_ =	sdelay $0x1  }
0x9f: {  	v4 =	vmul.f32 v4, v3;
	_ =	sdelay $0x1  }
0xa0: {  	[tilespmem:v2+s22+$0x0] =	vst.idx.add.f32.msk $0xffff, v4  }
0xa1: {  	v4 =	vld.idx.msk [tilespmem:v5+s3+$0x0], $0xffff;
	_ =	sdelay $0x1  }
0xa2: {  	v62 =	vadd.s32 $0x2780, v2  }
0xa3: {  	v6 =	vadd.s32 $0x4E20, v1;
	_ =	sdelay $0x1  }
0xa4: {  	v4 =	vmul.f32 v4, v3;
	_ =	sdelay $0x1  }
0xa5: {  	[tilespmem:v62+s22+$0x0] =	vst.idx.add.f32.msk $0xffff, v4  }
0xa6: {  	v4 =	vld.idx.msk [tilespmem:v6+s3+$0x0], $0xffff;
	_ =	sdelay $0x1  }
0xa7: {  	v63 =	vadd.s32 $0x4F00, v2  }
0xa8: {  	v1 =	vadd.s32 $0x7530, v1;
	_ =	sdelay $0x1  }
0xa9: {  	v4 =	vmul.f32 v4, v3;
	_ =	sdelay $0x1  }
0xaa: {  	[tilespmem:v63+s22+$0x0] =	vst.idx.add.f32.msk $0xffff, v4  }
0xab: {  	v1 =	vld.idx.msk [tilespmem:v1+s3+$0x0], $0xffff;
	_ =	sdelay $0x1  }
0xac: {  	p0 =	sne.s32 s1, $0x40;
	v2 =	vadd.s32 $0x7680, v2  }
.Ltmp2:
0xad: {  	_ = 	snop;
	(pc) =	sbr.rel @p0 .LBB2_7-.Ltmp2, $3  }
0xae: {  	_ = 	snop  }
0xaf: {  	v1 =	vmul.f32 v1, v3;
	_ =	sdelay $0x1  }
0xb0: {  	s1 =	sadd.s32 $0x40, s1;
	[tilespmem:v2+s22+$0x0] =	vst.idx.add.f32.msk $0xffff, v1  }
0xb1: {  	_ =	swait.ge [sflag:s23], $0xFA0  }
0xb2: {  	[sflag:s23] =	ssyncset.done $0x0  }
0xb3: {  	[sflag:s23] =	ssyncadd.s32 $0xFFFFF060  }
0xb4: {  	_ =	swait.ge [sflag:s23], $0xFA0  }
0xb5: {  	p0 =	seq.s32 s28, $0x4;
	[sflag:s23] =	ssyncset.done $0x0  }
0xb6: {  	s0 =	sadd.s32 @!p0 s29, s11;
	[sflag:s23] =	ssyncadd.s32 $0xFFFFF060  }
0xb7: {  	s0 =	smul.u32 @!p0 $0x1F4, s0;
	_ =	swait.ge [sflag:s23], $0xFA0  }
0xb8: {  	s14 =	simm.s32 @!p0 $0x0;
	[sflag:s23] =	ssyncset.done $0x0  }
0xb9: {  	s15 =	simm.s32 @!p0 $0x13A40;
	s1 =	sadd.s32 @!p0 s4, s0;
	[sflag:s23] =	ssyncadd.s32 $0xFFFFF060  }
0xba: {  	[tilespmem:s15], [sflag:$0x1] =	stream.linear.gather @!p0 [hbm4b:s1+s14], $0xFA0, $0x38;
	[tilespmem:$0x19800] =	vst v63  }
0xbb: {  	s1 =	sadd.s32 @!p0 s5, s0;
	s15 =	simm.s32 @!p0 $0x15980  }
0xbc: {  	[tilespmem:s15], [sflag:$0x1] =	stream.linear.gather @!p0 [hbm4b:s1+s14], $0xFA0, $0x38;
	[tilespmem:$0x19800] =	vst v63  }
0xbd: {  	s0 =	sadd.s32 @!p0 s2, s0;
	s1 =	simm.s32 @!p0 $0x178C0;
	s15 =	simm.s32 $0x14A00  }
0xbe: {  	[tilespmem:s1], [sflag:$0x1] =	stream.linear.gather @!p0 [hbm4b:s0+s14], $0xFA0, $0x38;
	[tilespmem:$0x19800] =	vst v63  }
0xbf: {  	v4 =	vld [tilespmem:s15+$0x10];
	_ =	sdelay $0x3  }
0xc0: {  	v5 =	vld [tilespmem:s15+$0xFFFFFFF0]  }
0xc1: {  	s30 =	simm.s32 $0x16940;
	v6 =	vld [tilespmem:s15+$0xFFFFFFE0]  }
0xc2: {  	s31 =	simm.s32 $0x18880;
	v8 =	vld [tilespmem:s30+$0x10]  }
0xc3: {  	s29 =	simm.s32 $0x0;
	v9 =	vld [tilespmem:s31+$0x10]  }
0xc4: {  	v2 =	vld.idx.msk [tilespmem:v4+s29+$0x0], $0xffff  }
0xc5: {  	v7 =	vld [tilespmem:s15+$0x0]  }
0xc6: {  	v1 =	vld [tilespmem:s31+$0xFFFFFFE0]  }
0xc7: {  	v15 =	vld [tilespmem:s30+$0xFFFFFFE0];
	v3 =	vadd.s32 $0x2710, v4  }
0xc8: {  	v16 =	vld [tilespmem:s30+$0xFFFFFFF0]  }
0xc9: {  	v17 =	vld [tilespmem:s30+$0x0];
	v13 =	vmul.f32 v2, v9  }
0xca: {  	v11 =	vld.idx.msk [tilespmem:v6+s29+$0x0], $0xffff  }
0xcb: {  	[tilespmem:v8+s22+$0x0] =	vst.idx.add.f32.msk $0xffff, v13  }
0xcc: {  	v13 =	vld.idx.msk [tilespmem:v3+s29+$0x0], $0xffff  }
0xcd: {  	v10 =	vld.idx.msk [tilespmem:v5+s29+$0x0], $0xffff  }
0xce: {  	v14 =	vadd.s32 $0x2780, v8;
	v12 =	vld.idx.msk [tilespmem:v7+s29+$0x0], $0xffff  }
0xcf: {  	v18 =	vadd.s32 $0x4E20, v4;
	v2 =	vld [tilespmem:s31+$0xFFFFFFF0]  }
0xd0: {  	v19 =	vadd.s32 $0x2710, v6;
	v11 =	vmul.f32 v11, v1;
	v3 =	vld [tilespmem:s31+$0x0]  }
0xd1: {  	v13 =	vmul.f32 v13, v9  }
0xd2: {  	[tilespmem:v15+s22+$0x0] =	vst.idx.add.f32.msk $0xffff, v11  }
0xd3: {  	[tilespmem:v14+s22+$0x0] =	vst.idx.add.f32.msk $0xffff, v13;
	v13 =	vadd.s32 $0x2710, v5  }
0xd4: {  	v60 =	vadd.s32 $0x2710, v7;
	v10 =	vmul.f32 v10, v2;
	v14 =	vld.idx.msk [tilespmem:v18+s29+$0x0], $0xffff  }
0xd5: {  	v11 =	vld.idx.msk [tilespmem:v19+s29+$0x0], $0xffff;
	v12 =	vmul.f32 v12, v3  }
0xd6: {  	[tilespmem:v16+s22+$0x0] =	vst.idx.add.f32.msk $0xffff, v10;
	v10 =	vadd.s32 $0x4F00, v8  }
0xd7: {  	v4 =	vadd.s32 $0x7530, v4;
	[tilespmem:v17+s22+$0x0] =	vst.idx.add.f32.msk $0xffff, v12  }
0xd8: {  	v12 =	vld.idx.msk [tilespmem:v13+s29+$0x0], $0xffff  }
0xd9: {  	v18 =	vld.idx.msk [tilespmem:v60+s29+$0x0], $0xffff;
	v13 =	vadd.s32 $0x2780, v15;
	v14 =	vmul.f32 v14, v9  }
0xda: {  	v61 =	vadd.s32 $0x2780, v16  }
0xdb: {  	v20 =	vadd.s32 $0x2780, v17;
	[tilespmem:v10+s22+$0x0] =	vst.idx.add.f32.msk $0xffff, v14  }
0xdc: {  	v14 =	vadd.s32 $0x4E20, v6;
	v21 =	vld.idx.msk [tilespmem:v4+s29+$0x0], $0xffff;
	v4 =	vmul.f32 v11, v1  }
0xdd: {  	v11 =	vadd.s32 $0x4E20, v5;
	v10 =	vmul.f32 v12, v2  }
0xde: {  	v62 =	vadd.s32 $0x7680, v8;
	v12 =	vmul.f32 v18, v3;
	[tilespmem:v13+s22+$0x0] =	vst.idx.add.f32.msk $0xffff, v4  }
0xdf: {  	[tilespmem:v61+s22+$0x0] =	vst.idx.add.f32.msk $0xffff, v10  }
0xe0: {  	v8 =	vadd.s32 $0x7680, v16;
	v4 =	vadd.s32 $0x7530, v5;
	[tilespmem:v20+s22+$0x0] =	vst.idx.add.f32.msk $0xffff, v12  }
0xe1: {  	v5 =	vadd.s32 $0x7530, v7;
	v10 =	vadd.s32 $0x4E20, v7;
	v14 =	vld.idx.msk [tilespmem:v14+s29+$0x0], $0xffff;
	v63 =	vmul.f32 v21, v9  }
0xe2: {  	v7 =	vadd.s32 $0x7530, v6;
	v12 =	vadd.s32 $0x4F00, v15;
	v6 =	vadd.s32 $0x7680, v15;
	v15 =	vld.idx.msk [tilespmem:v11+s29+$0x0], $0xffff  }
0xe3: {  	s1 =	simm.s32 $0x0;
	s14 =	simm.s32 $0x14A40;
	s0 =	simm.s32 $0x0;
	v13 =	vadd.s32 $0x4F00, v16;
	v11 =	vadd.s32 $0x4F00, v17;
	v9 =	vadd.s32 $0x7680, v17;
	[tilespmem:v62+s22+$0x0] =	vst.idx.add.f32.msk $0xffff, v63  }
.LBB2_9:
0xe4: {  	v16 =	vld [tilespmem:s14+$0x10];
	s1 =	sadd.s32 $0x4, s1  }
0xe5: {  	v17 =	vld [tilespmem:s14+$0xFFFFFFF0];
	p0 =	slt.u32 s1, $0xF4  }
0xe6: {  	v18 =	vld [tilespmem:s14+$0x0]  }
0xe7: {  	v14 =	vmul.f32 v14, v1;
	v19 =	vld [tilespmem:s14+$0xFFFFFFE0]  }
0xe8: {  	v15 =	vmul.f32 v15, v2;
	v20 =	vld.idx.msk [tilespmem:v10+s0+$0x0], $0xffff  }
0xe9: {  	[tilespmem:v12+s22+$0x0] =	vst.idx.add.f32.msk $0xffff, v14  }
0xea: {  	s30 =	sadd.s32 $0x40, s30;
	v14 =	vadd.s32 $0x2710, v17;
	v21 =	vadd.s32 $0x4E20, v17;
	v22 =	vadd.s32 $0x7530, v17;
	[tilespmem:v13+s22+$0x0] =	vst.idx.add.f32.msk $0xffff, v15  }
0xeb: {  	v15 =	vadd.s32 $0x2710, v18;
	v10 =	vadd.s32 $0x4E20, v18;
	v23 =	vadd.s32 $0x7530, v18;
	v24 =	vld [tilespmem:s30+$0x10]  }
0xec: {  	s31 =	sadd.s32 $0x40, s31;
	v25 =	vadd.s32 $0x2710, v19;
	v26 =	vadd.s32 $0x4E20, v19;
	v12 =	vadd.s32 $0x7530, v19;
	v13 =	vld.idx.msk [tilespmem:v16+s29+$0x0], $0xffff  }
0xed: {  	v27 =	vld [tilespmem:s31+$0x10]  }
0xee: {  	v20 =	vmul.f32 v20, v3;
	v17 =	vld.idx.msk [tilespmem:v17+s29+$0x0], $0xffff  }
0xef: {  	v19 =	vld.idx.msk [tilespmem:v19+s29+$0x0], $0xffff  }
0xf0: {  	v28 =	vadd.s32 $0x2710, v16;
	v18 =	vld.idx.msk [tilespmem:v18+s29+$0x0], $0xffff  }
0xf1: {  	v29 =	vld [tilespmem:s31+$0xFFFFFFE0]  }
0xf2: {  	v30 =	vld [tilespmem:s31+$0xFFFFFFF0];
	v13 =	vmul.f32 v13, v27  }
0xf3: {  	v31 =	vld [tilespmem:s31+$0x0]  }
0xf4: {  	[tilespmem:v24+s22+$0x0] =	vst.idx.add.f32.msk $0xffff, v13  }
0xf5: {  	v13 =	vld.idx.msk [tilespmem:v28+s29+$0x0], $0xffff  }
0xf6: {  	v28 =	vld [tilespmem:s30+$0xFFFFFFE0];
	v19 =	vmul.f32 v19, v29  }
0xf7: {  	v32 =	vld [tilespmem:s30+$0xFFFFFFF0];
	v17 =	vmul.f32 v17, v30  }
0xf8: {  	v34 =	vadd.s32 $0x2780, v24;
	v33 =	vld [tilespmem:s30+$0x0];
	v18 =	vmul.f32 v18, v31  }
0xf9: {  	v35 =	vadd.s32 $0x4E20, v16;
	[tilespmem:v11+s22+$0x0] =	vst.idx.add.f32.msk $0xffff, v20  }
0xfa: {  	v20 =	vld.idx.msk [tilespmem:v7+s0+$0x0], $0xffff;
	v7 =	vmov v12  }
0xfb: {  	v37 =	vmul.f32 v13, v27;
	v36 =	vadd.s32 $0x2780, v28;
	v12 =	vadd.s32 $0x4F00, v28;
	v38 =	vld.idx.msk [tilespmem:v4+s0+$0x0], $0xffff;
	v4 =	vmovc v22  }
0xfc: {  	v22 =	vadd.s32 $0x7680, v28;
	v39 =	vadd.s32 $0x2780, v32;
	v13 =	vadd.s32 $0x4F00, v32;
	v40 =	vld.idx.msk [tilespmem:v5+s0+$0x0], $0xffff;
	v5 =	vmovc v23;
	s0 =	smov.u32 s29  }
0xfd: {  	v23 =	vadd.s32 $0x7680, v32;
	v41 =	vadd.s32 $0x2780, v33;
	v11 =	vadd.s32 $0x4F00, v33;
	[tilespmem:v34+s22+$0x0] =	vst.idx.add.f32.msk $0xffff, v37  }
0xfe: {  	v34 =	vadd.s32 $0x7680, v33;
	v35 =	vld.idx.msk [tilespmem:v35+s0+$0x0], $0xffff  }
0xff: {  	[tilespmem:v28+s22+$0x0] =	vst.idx.add.f32.msk $0xffff, v19  }
0x100: {  	[tilespmem:v32+s22+$0x0] =	vst.idx.add.f32.msk $0xffff, v17;
	v17 =	vmul.f32 v20, v1;
	v1 =	vmov v29  }
0x101: {  	v19 =	vmul.f32 v38, v2;
	v2 =	vmov v30;
	[tilespmem:v33+s22+$0x0] =	vst.idx.add.f32.msk $0xffff, v18;
	v18 =	vadd.s32 $0x4F00, v24  }
0x102: {  	v16 =	vadd.s32 $0x7530, v16;
	v20 =	vld.idx.msk [tilespmem:v25+s0+$0x0], $0xffff;
	v25 =	vmul.f32 v40, v3;
	v3 =	vmov v31  }
0x103: {  	v14 =	vld.idx.msk [tilespmem:v14+s0+$0x0], $0xffff  }
0x104: {  	v28 =	vmul.f32 v35, v27;
	v15 =	vld.idx.msk [tilespmem:v15+s0+$0x0], $0xffff  }
0x105: {  	[tilespmem:v6+s22+$0x0] =	vst.idx.add.f32.msk $0xffff, v17;
	v6 =	vmov v22  }
0x106: {  	[tilespmem:v18+s22+$0x0] =	vst.idx.add.f32.msk $0xffff, v28  }
0x107: {  	v16 =	vld.idx.msk [tilespmem:v16+s0+$0x0], $0xffff  }
0x108: {  	v17 =	vmul.f32 v20, v1;
	[tilespmem:v8+s22+$0x0] =	vst.idx.add.f32.msk $0xffff, v19;
	v8 =	vmov v23  }
0x109: {  	v14 =	vmul.f32 v14, v2;
	[tilespmem:v9+s22+$0x0] =	vst.idx.add.f32.msk $0xffff, v25;
	v9 =	vmov v34  }
0x10a: {  	v15 =	vmul.f32 v15, v3;
	[tilespmem:v36+s22+$0x0] =	vst.idx.add.f32.msk $0xffff, v17;
	v17 =	vadd.s32 $0x7680, v24  }
.Ltmp3:
0x10b: {  	[tilespmem:v39+s22+$0x0] =	vst.idx.add.f32.msk $0xffff, v14;
	(pc) =	sbr.rel @p0 .LBB2_9-.Ltmp3, $4  }
0x10c: {  	[tilespmem:v41+s22+$0x0] =	vst.idx.add.f32.msk $0xffff, v15  }
0x10d: {  	v16 =	vmul.f32 v16, v27;
	v14 =	vld.idx.msk [tilespmem:v26+s0+$0x0], $0xffff  }
0x10e: {  	v15 =	vld.idx.msk [tilespmem:v21+s0+$0x0], $0xffff  }
0x10f: {  	s14 =	sadd.s32 $0x40, s14;
	[tilespmem:v17+s22+$0x0] =	vst.idx.add.f32.msk $0xffff, v16  }
0x110: {  	_ =	sdelay $0x3  }
0x111: {  	v10 =	vld.idx.msk [tilespmem:v10+s0+$0x0], $0xffff  }
0x112: {  	v14 =	vmul.f32 v14, v1  }
0x113: {  	v15 =	vmul.f32 v15, v2  }
0x114: {  	[tilespmem:v12+s22+$0x0] =	vst.idx.add.f32.msk $0xffff, v14  }
0x115: {  	[tilespmem:v13+s22+$0x0] =	vst.idx.add.f32.msk $0xffff, v15  }
0x116: {  	v10 =	vmul.f32 v10, v3;
	v7 =	vld.idx.msk [tilespmem:v7+s0+$0x0], $0xffff  }
0x117: {  	v4 =	vld.idx.msk [tilespmem:v4+s0+$0x0], $0xffff  }
0x118: {  	[tilespmem:v11+s22+$0x0] =	vst.idx.add.f32.msk $0xffff, v10  }
0x119: {  	v5 =	vld.idx.msk [tilespmem:v5+s0+$0x0], $0xffff;
	_ =	sdelay $0x2  }
0x11a: {  	v1 =	vmul.f32 v7, v1  }
0x11b: {  	v2 =	vmul.f32 v4, v2  }
0x11c: {  	[tilespmem:v6+s22+$0x0] =	vst.idx.add.f32.msk $0xffff, v1;
	v3 =	vmul.f32 v5, v3  }
0x11d: {  	[tilespmem:v8+s22+$0x0] =	vst.idx.add.f32.msk $0xffff, v2  }
0x11e: {  	[tilespmem:v9+s22+$0x0] =	vst.idx.add.f32.msk $0xffff, v3  }
.LBB2_11:
0x11f: {  	s0 =	sshra.s32 s29, $0x2  }
0x120: {  	v1 =	vld [tilespmem:s0+$0x15960];
	_ =	sdelay $0x5  }
0x121: {  	v2 =	vld [tilespmem:s0+$0x178A0]  }
0x122: {  	v3 =	vld [tilespmem:s0+$0x197E0]  }
0x123: {  	v4 =	vld.idx.msk [tilespmem:v1+s3+$0x0], $0xffff;
	_ =	sdelay $0x2  }
0x124: {  	v5 =	vadd.s32 $0x2710, v1;
	_ =	sdelay $0x1  }
0x125: {  	v4 =	vmul.f32 v4, v3;
	_ =	sdelay $0x1  }
0x126: {  	[tilespmem:v2+s22+$0x0] =	vst.idx.add.f32.msk $0xffff, v4  }
0x127: {  	v4 =	vld.idx.msk [tilespmem:v5+s3+$0x0], $0xffff;
	_ =	sdelay $0x1  }
0x128: {  	v62 =	vadd.s32 $0x2780, v2  }
0x129: {  	v6 =	vadd.s32 $0x4E20, v1;
	_ =	sdelay $0x1  }
0x12a: {  	v4 =	vmul.f32 v4, v3;
	_ =	sdelay $0x1  }
0x12b: {  	[tilespmem:v62+s22+$0x0] =	vst.idx.add.f32.msk $0xffff, v4  }
0x12c: {  	v4 =	vld.idx.msk [tilespmem:v6+s3+$0x0], $0xffff;
	_ =	sdelay $0x1  }
0x12d: {  	v63 =	vadd.s32 $0x4F00, v2  }
0x12e: {  	v1 =	vadd.s32 $0x7530, v1;
	_ =	sdelay $0x1  }
0x12f: {  	v4 =	vmul.f32 v4, v3;
	_ =	sdelay $0x1  }
0x130: {  	[tilespmem:v63+s22+$0x0] =	vst.idx.add.f32.msk $0xffff, v4  }
0x131: {  	v1 =	vld.idx.msk [tilespmem:v1+s3+$0x0], $0xffff;
	_ =	sdelay $0x1  }
0x132: {  	p0 =	sne.s32 s29, $0x40;
	v2 =	vadd.s32 $0x7680, v2  }
.Ltmp4:
0x133: {  	_ = 	snop;
	(pc) =	sbr.rel @p0 .LBB2_11-.Ltmp4, $3  }
0x134: {  	_ = 	snop  }
0x135: {  	v1 =	vmul.f32 v1, v3;
	_ =	sdelay $0x1  }
0x136: {  	s29 =	sadd.s32 $0x40, s29;
	[tilespmem:v2+s22+$0x0] =	vst.idx.add.f32.msk $0xffff, v1  }
0x137: {  	s28 =	sadd.s32 $0x1, s28  }
0x138: {  	p0 =	sne.s32 s28, $0x5  }
.Ltmp5:
0x139: {  	_ = 	snop;
	(pc) =	sbr.rel @p0 .LBB2_4-.Ltmp5, $1  }
0x13a: {  	_ =	sdelay $0x3  }
0x13b: {  	s25 =	sadd.s32 $0x1, s25  }
0x13c: {  	p0 =	sne.s32 s25, s13  }
.Ltmp6:
0x13d: {  	_ = 	snop;
	(pc) =	sbr.rel @p0 .LBB2_1-.Ltmp6, $4  }
0x13e: {  	[hbm4b:s12+s3] =	stream.linear.scatter [tilespmem:s22], [sflag:$0x4], $0x9E00, $0x38;
	[tilespmem:$0x19800] =	vst v63  }
0x13f: {  	_ =	swait.ge [sflag:s24], $0x9E00  }
0x140: {  	[sflag:s24] =	ssyncset.done $0x0  }
0x141: {  	[sflag:s24] =	ssyncadd.s32 $0xFFFF6200  }
0x142: {  	_ =	sfence.sel $0x180000  }
0x143: {  	[bflag:$0x0] =	sbarrier.arrive $0xFFFF  }
0x144: {  	_ =	strace $0x9000004A  }
0x145: {  	s0 =	stileid.u32;
	[bflag:$0x2] =	sbarrier.arrive $0xFFFF  }
0x146: {  	p0 =	sne.s32 s0, $0x0;
	s0 =	rddreg [dreg:$0x2]  }
0x147: {  	s0 =	sadd.s32 @!p0 $0x100000, s0  }
0x148: {  	[sflag:s0] =	ssyncadd.tile.s32 @!p0 $0x1;
	_ =	shalt  }
.Lfunc_end2:
_tile_overlayer_lowered:
.L_overlay_start_2:
0x149: {  	(tag) =	ssettag $0x2  }
0x14a: {  	s0 =	rddreg [dreg:$0x0];
	s2 =	stileid.u32  }
0x14b: {  	s1 =	rddreg [dreg:$0x1];
	p0 =	sne.s32 s2, $0x0  }
0x14c: {  	s3 =	rddreg [dreg:$0x2];
	[bflag:$0x3] =	sbarrier.arrive $0xFFFF;
	s2 =	simm.s32 @!p0 $0x1C04  }
0x14d: {  	[timem:s3], [sflag:s2] =	dma.local @!p0 [hbm:s0], s1  }
0x14e: {  	s0 =	simm.s32 @!p0 $0x4  }
0x14f: {  	_ =	swait.ge @!p0 [sflag:s0], s1  }
0x150: {  	s1 =	ssub.s32 @!p0 $0x0, s1;
	[sflag:s0] =	ssyncset.done @!p0 $0x0  }
0x151: {  	[sflag:s0] =	ssyncadd.s32 @!p0 s1  }
0x152: {  	[bflag:$0x3] =	sbarrier.arrive $0xFFFF  }
0x153: {  	_ =	shalt  }

// kernel: kernel.15.cloned.1.call-start
scs
__scs_entry_jumppad:
0x0: {  	(pc) =	sbr.rel $0x88, $3  }
0x1: {  	(tag) =	ssettag $0x0;
	lr =	simm.s32 $0x1  }
0x2: {  	[smem:$0x3F9A] =	sst lr;
	_ =	strace $0xD0000000  }
0x3: {  	_ = 	snop  }
0x4: {  	_ = 	snop  }
0x5: {  	_ = 	snop  }
0x6: {  	_ = 	snop  }
0x7: {  	_ = 	snop  }
__scs_overlays_trampoline_lowered:
0x8: {  	[smem:$0x3FA9] =	sst s0  }
0x9: {  	[smem:$0x3FAA] =	sst s1  }
0xa: {  	[smem:$0x3FAB] =	sst s2  }
0xb: {  	[smem:$0x3FAC] =	sst s3  }
0xc: {  	[smem:$0x3FAD] =	sst s4  }
0xd: {  	[smem:$0x3FAE] =	sst s5  }
0xe: {  	[smem:$0x3FAF] =	sst s6  }
0xf: {  	[smem:$0x3FB0] =	sst s7  }
0x10: {  	[smem:$0x3FB1] =	sst s8  }
0x11: {  	[smem:$0x3FB2] =	sst s9;
	s0 =	simm.s32 @!p0 $0x0  }
0x12: {  	s1 =	sld [smem:$0x3F98];
	s0 =	simm.s32 @p0 $0x1  }
0x13: {  	[smem:$0x3FB3] =	sst s0;
	s0 =	simm.s32 @!p1 $0x0  }
0x14: {  	s2 =	sld [smem:$0x3F97];
	s0 =	simm.s32 @p1 $0x1  }
0x15: {  	[smem:$0x3FB4] =	sst s0;
	s0 =	simm.s32 @!p2 $0x0  }
0x16: {  	s3 =	sld [smem:$0x3FDB];
	s0 =	simm.s32 @p2 $0x1  }
0x17: {  	s4 =	simm.s32 $0x1BF5;
	[smem:$0x3FB6] =	sst s0  }
0x18: {  	s0 =	sld [smem:$0x3F99];
	_ =	swait.ge [sflag:s4], $0x0  }
0x19: {  	s7 =	sld [smem:$0x3F9A]  }
0x1a: {  	s8 =	sadd.s32 $0xFFFFE003, lr  }
0x1b: {  	s9 =	sadd.s32 $0xFFFFFEF7, lr;
	s5 =	simm.s32 $0xFFFFFFFF;
	p2 =	slt.u32 s8, $0xFFFFF086  }
0x1c: {  	p1 =	slt.u32 s9, $0xF7A;
	s5 =	simm.s32 @!p2 $0x0  }
0x1d: {  	s5 =	simm.s32 @p1 $0x1;
	p0 =	seq.s32 s7, s2  }
0x1e: {  	s7 =	smul.u32 @!p0 $0xF7A, s2;
	p2 =	seq.s32 @!p0 s5, $0x0  }
0x1f: {  	s9 =	smul.u32 $0xF7A, s1;
	s8 =	simm.s32 @!p0 $0x1BF5;
	p2 =	por !p2, p0  }
0x20: {  	[sflag:s8] =	ssyncset.s32 @!p0 $0xFFFFF086;
	s6 =	sadd.s32 @!p0 s3, s7;
	s7 =	simm.s32 @!p0 $0x108  }
0x21: {  	s3 =	sadd.s32 s3, s9;
	s6 =	sadd.s32 @!p0 $0x88, s6;
	s7 =	simm.s32 @p2 $0x1082  }
0x22: {  	[simem:s7], [sflag:s8] =	dma.local @!p0 [hbm:s6], $0xF7A  }
0x23: {  	s9 =	sor.u32 $0xD0000000, s2;
	s6 =	simm.s32 $0x108;
	_ =	swait.ge @!p0 [sflag:s8], $0x0  }
0x24: {  	s3 =	sadd.s32 $0x88, s3;
	s6 =	simm.s32 @!p1 $0x1082;
	[sflag:s4] =	ssyncset.s32 $0xFFFFF086  }
0x25: {  	[simem:s6], [sflag:s4] =	dma.local [hbm:s3], $0xF7A  }
0x26: {  	[smem:$0x3F9A] =	sst s1;
	(tag) =	ssettag s2;
	_ =	strace s9  }
0x27: {  	s1 =	sld [smem:$0x3FAA]  }
0x28: {  	s2 =	sld [smem:$0x3FAB]  }
0x29: {  	s4 =	sld [smem:$0x3FAD]  }
0x2a: {  	p0 =	seq.s32 s5, $0x0;
	s5 =	sld [smem:$0x3FAE]  }
0x2b: {  	s6 =	sld [smem:$0x3FAF]  }
0x2c: {  	s7 =	sld [smem:$0x3FB0]  }
0x2d: {  	s3 =	simm.s32 $0x108;
	s8 =	sld [smem:$0x3FB1]  }
0x2e: {  	s3 =	simm.s32 @!p0 $0x1082;
	s9 =	sld [smem:$0x3FB2]  }
0x2f: {  	lr =	sadd.s32 s0, s3;
	s0 =	sld [smem:$0x3FA9]  }
0x30: {  	s3 =	sld [smem:$0x3FAC]  }
0x31: {  	[smem:$0x3FB5] =	sst s10  }
0x32: {  	s10 =	sld [smem:$0x3FB3];
	_ =	sdelay $0x3  }
0x33: {  	p0 =	seq.s32 s10, $0x1;
	s10 =	sld [smem:$0x3FB5];
	_ =	sdelay $0x3  }
0x34: {  	[smem:$0x3FB5] =	sst s10  }
0x35: {  	s10 =	sld [smem:$0x3FB4];
	_ =	sdelay $0x3  }
0x36: {  	p1 =	seq.s32 s10, $0x1;
	s10 =	sld [smem:$0x3FB5];
	_ =	sdelay $0x3  }
0x37: {  	[smem:$0x3FB5] =	sst s10  }
0x38: {  	s10 =	sld [smem:$0x3FB6]  }
0x39: {  	_ = 	snop;
	(pc) =	sbr.ind lr, $3  }
0x3a: {  	_ = 	snop  }
0x3b: {  	_ = 	snop  }
0x3c: {  	p2 =	seq.s32 s10, $0x1;
	s10 =	sld [smem:$0x3FB5]  }
0x3d: {  	_ =	shalt  }
0x3e: {  	_ =	shalt  }
0x3f: {  	_ =	shalt  }
0x40: {  	_ =	shalt  }
0x41: {  	_ =	shalt  }
0x42: {  	_ =	shalt  }
0x43: {  	_ =	shalt  }
0x44: {  	_ =	shalt  }
0x45: {  	_ =	shalt  }
0x46: {  	_ =	shalt  }
0x47: {  	_ =	shalt  }
0x48: {  	_ =	shalt  }
0x49: {  	_ =	shalt  }
0x4a: {  	_ =	shalt  }
0x4b: {  	_ =	shalt  }
0x4c: {  	_ =	shalt  }
0x4d: {  	_ =	shalt  }
0x4e: {  	_ =	shalt  }
0x4f: {  	_ =	shalt  }
0x50: {  	_ =	shalt  }
0x51: {  	_ =	shalt  }
0x52: {  	_ =	shalt  }
0x53: {  	_ =	shalt  }
0x54: {  	_ =	shalt  }
0x55: {  	_ =	shalt  }
0x56: {  	_ =	shalt  }
0x57: {  	_ =	shalt  }
0x58: {  	_ =	shalt  }
0x59: {  	_ =	shalt  }
0x5a: {  	_ =	shalt  }
0x5b: {  	_ =	shalt  }
0x5c: {  	_ =	shalt  }
0x5d: {  	_ =	shalt  }
0x5e: {  	_ =	shalt  }
0x5f: {  	_ =	shalt  }
0x60: {  	_ =	shalt  }
0x61: {  	_ =	shalt  }
0x62: {  	_ =	shalt  }
0x63: {  	_ =	shalt  }
0x64: {  	_ =	shalt  }
0x65: {  	_ =	shalt  }
0x66: {  	_ =	shalt  }
0x67: {  	_ =	shalt  }
0x68: {  	_ =	shalt  }
0x69: {  	_ =	shalt  }
0x6a: {  	_ =	shalt  }
0x6b: {  	_ =	shalt  }
0x6c: {  	_ =	shalt  }
0x6d: {  	_ =	shalt  }
0x6e: {  	_ =	shalt  }
0x6f: {  	_ =	shalt  }
0x70: {  	_ =	shalt  }
0x71: {  	_ =	shalt  }
0x72: {  	_ =	shalt  }
0x73: {  	_ =	shalt  }
0x74: {  	_ =	shalt  }
0x75: {  	_ =	shalt  }
0x76: {  	_ =	shalt  }
0x77: {  	_ =	shalt  }
0x78: {  	_ =	shalt  }
0x79: {  	_ =	shalt  }
0x7a: {  	_ =	shalt  }
0x7b: {  	_ =	shalt  }
0x7c: {  	_ =	shalt  }
0x7d: {  	_ =	shalt  }
0x7e: {  	_ =	shalt  }
0x7f: {  	_ =	shalt  }
0x80: {  	_ =	shalt  }
0x81: {  	_ =	shalt  }
0x82: {  	_ =	shalt  }
0x83: {  	_ =	shalt  }
0x84: {  	_ =	shalt  }
0x85: {  	_ =	shalt  }
0x86: {  	_ =	shalt  }
0x87: {  	_ =	shalt  }
.Lfunc_end0:
.L_simem_size_0:
called_computation.2_lowered:
.L_overlay_start_0:
0x88: {  	s2 =	sld [smem:$0x3FD9]  }
0x89: {  	s3 =	sld [smem:$0x3FFE];
	_ =	sdelay $0x1  }
0x8a: {  	s1 =	srdreg.scid  }
0x8b: {  	s0 =	sand.u32 $0x1, s1  }
0x8c: {  	s17 =	sshll.u32 s0, $0xA;
	s2 =	sadd.s32 s3, s2  }
0x8d: {  	s2 =	sadd.s32 s2, s17  }
0x8e: {  	[smem:$0x3FC1] =	sst s2  }
0x8f: {  	_ = 	snop  }
0x90: {  	s2 =	sld [smem:$0x3FC7]  }
0x91: {  	s18 =	sld [smem:$0x3FD0];
	(tm) =	ssettm $0x1  }
0x92: {  	s4 =	sld [smem:$0x3FFB];
	_ =	sdelay $0x3  }
0x93: {  	_ =	strace s4  }
0x94: {  	s4 =	sld [smem:$0x3FFC];
	_ =	sdelay $0x3  }
0x95: {  	_ =	strace s4  }
0x96: {  	s4 =	sld [smem:$0x3FFD];
	_ =	sdelay $0x3  }
0x97: {  	_ =	strace s4  }
0x98: {  	_ =	strace $0x8FFFFFFF  }
0x99: {  	s19 =	sld [smem:$0x3FDB];
	_ =	sdelay $0x1  }
0x9a: {  	s5 =	simm.s32 $_scs_section_size  }
0x9b: {  	s6 =	simm.s32 $_size__tile_overlayer_lowered;
	s7 =	simm.s32 $_tile_overlayer_lowered  }
0x9c: {  	s22 =	simm.s32 $0x1BFF;
	s21 =	sshll.u32 s7, $0x1;
	s4 =	sadd.s32 s5, s19  }
0x9d: {  	s8 =	simm.s32 $0x0;
	s20 =	sshll.u32 s6, $0x1;
	s6 =	sadd.s32 s21, s4  }
0x9e: {  	[timem:s8], [sflag:s22] =	dma.local [hbm:s6], s20  }
0x9f: {  	_ =	swait.ge [sflag:s22], s20  }
0xa0: {  	s5 =	ssub.s32 $0x0, s20;
	[sflag:s22] =	ssyncset.done $0x0  }
0xa1: {  	[sflag:s22] =	ssyncadd.s32 s5;
	_ =	sdelay $0x1  }
0xa2: {  	s23 =	simm.s32 $0x1B8B  }
0xa3: {  	_ =	swait.ge [sflag:s23], $0x1  }
0xa4: {  	[sflag:s23] =	ssyncset.done $0x0  }
0xa5: {  	s25 =	simm.s32 $0x1B8E;
	s24 =	sld [smem:$0x3FFE];
	[sflag:s23] =	ssyncadd.s32 $0xFFFFFFFF  }
0xa6: {  	s26 =	simm.s32 $execute0_lowered;
	[smem:$0x3FD2] =	sst s25  }
0xa7: {  	s6 =	sshll.u32 s26, $0x1;
	_ =	strace $0x8000004C;
	[dreg:$0x1] =	wrdreg $0xFFFFFFFF  }
0xa8: {  	s28 =	simm.s32 $_size_execute0_lowered;
	s4 =	sadd.s32 s4, s6;
	[dreg:$0x0] =	wrdreg $0x0  }
0xa9: {  	s6 =	sshll.u32 s28, $0x1;
	[dreg:$0x2] =	wrdreg s4  }
0xaa: {  	[dreg:$0x3] =	wrdreg s6  }
0xab: {  	[dreg:$0x4] =	wrdreg $0xC0  }
0xac: {  	_ =	task [dreg:s8], $0x5FFFF  }
0xad: {  	[dreg:$0x1] =	wrdreg $0xFFFFFFFF  }
0xae: {  	[dreg:$0x0] =	wrdreg $0x60  }
0xaf: {  	[dreg:$0x2] =	wrdreg s24  }
0xb0: {  	[dreg:$0x3] =	wrdreg s2  }
0xb1: {  	[dreg:$0x4] =	wrdreg s18  }
0xb2: {  	[dreg:$0x5] =	wrdreg $0x9  }
0xb3: {  	_ =	task.clear_ibuf [dreg:s8], $0x6FFFF;
	_ =	strace $0x9000004C  }
0xb4: {  	s29 =	simm.s32 $0x9;
	_ =	strace $0x8000004E  }
0xb5: {  	_ =	swait.ge [sflag:s29], $0x1  }
0xb6: {  	[sflag:s29] =	ssyncadd.s32 $0xFFFFFFFF  }
0xb7: {  	_ =	strace $0x9000004E  }
0xb8: {  	_ =	sfence  }
0xb9: {  	s30 =	sld [smem:$0x0];
	_ =	sdelay $0x2  }
0xba: {  	s31 =	sshll.u32 s1, $0xD;
	s1 =	sshrl.u32 s1, $0x2  }
0xbb: {  	s3 =	sand.u32 $0x4000, s31;
	s1 =	sadd.s32 s1, s30  }
0xbc: {  	s0 =	sor.u32 s3, s0;
	s1 =	sshll.u32 s1, $0x11  }
0xbd: {  	s0 =	sor.u32 s1, s0  }
0xbe: {  	s0 =	sadd.s32 $0x8F2B, s0  }
0xbf: {  	[sflag:s0] =	ssyncadd.remote.s32 $0x1  }
0xc0: {  	_ =	sfence.sel $0xFFFF  }
0xc1: {  	[dreg:$0x0] =	wrdreg $0xFFFFFFFF;
	(pc) =	sbr.abs _section_cstart, $3  }
0xc2: {  	[dreg:$0x1] =	wrdreg $0xFFFFFFFF  }
0xc3: {  	_ =	task.clear_ibuf [dreg:s8], $0x2FFFF;
	_ =	strace $0x9FFFFFFF  }
0xc4: {  	(tm) =	ssettm $0x7FFFFFFF  }
0xc5: {  	_ =	shalt  }
tec
execute0_lowered:
.L_overlay_start_1:
0x0: {  	(tag) =	ssettag $0x1  }
0x1: {  	s4 =	rddreg [dreg:$0x0];
	s1 =	srdreg.scid  }
0x2: {  	s0 =	stileid.u32;
	s5 =	rddreg [dreg:$0x1]  }
0x3: {  	s2 =	rddreg [dreg:$0x2];
	s3 =	simm.s32 $0x0;
	s11 =	simm.s32 $0x9CB0  }
0x4: {  	s12 =	simm.s32 $0x1;
	s6 =	sand.u32 $0x1, s1;
	s31 =	sshll.u32 s0, $0x1  }
0x5: {  	s13 =	simm.s32 $0x4E20;
	s14 =	simm.s32 $0x2;
	s7 =	sor.u32 s6, s31  }
0x6: {  	s15 =	simm.s32 $0x0;
	s6 =	ssub.s32 $0x2, s6;
	s8 =	smul.u32 $0x4E2, s7  }
0x7: {  	[smem:$0x7FF] =	sst s3;
	s7 =	smul.u32 $0x4F0, s7;
	s9 =	sshrl.u32 s6, $0x1  }
0x8: {  	s1 =	rddreg [dreg:$0x3];
	_ =	strace $0x8000004D;
	s9 =	ssub.s32 s6, s9  }
0x9: {  	s10 =	sadd.s32 s8, s4;
	s7 =	sadd.s32 s7, s4;
	s5 =	sadd.s32 s5, s8  }
0xa: {  	s8 =	smax.u32 s9, $0x1;
	s9 =	simm.s32 $0x2710;
	s4 =	sadd.s32 $0x3200, s10  }
0xb: {  	v0 =	vimm.f32 $0.0e+00;
	s6 =	sadd.s32 $0xD000, s10;
	s7 =	sadd.s32 $0x16E00, s7;
	s10 =	simm.s32 $0x75A0  }
.LBB2_1:
0xc: {  	[tilespmem:s3], [sflag:$0x1] =	stream.linear.gather [hbm4b:s4+s3], $0x2710, $0x38;
	[tilespmem:$0xC3C0] =	vst v63  }
0xd: {  	_ = 	snop  }
0xe: {  	[tilespmem:s9], [sflag:$0x1] =	stream.linear.gather [hbm4b:s5+s3], $0x2710, $0x38;
	[tilespmem:$0xC3C0] =	vst v63  }
0xf: {  	_ = 	snop  }
0x10: {  	[tilespmem:s10], [sflag:$0x1] =	stream.linear.gather [hbm4b:s6+s3], $0x2710, $0x38;
	[tilespmem:$0xC3C0] =	vst v63  }
0x11: {  	s16 =	simm.s32 $0x4E60  }
0x12: {  	[tilespmem:s11], [sflag:$0x1] =	stream.linear.gather [hbm4b:s2+s3], $0x2710, $0x38;
	[tilespmem:$0xC3C0] =	vst v63  }
0x13: {  	[tilespmem:s16+$0xFFFFFFC0] =	vst v0  }
0x14: {  	[tilespmem:s16+$0x30] =	vst v0  }
0x15: {  	[tilespmem:s16+$0x20] =	vst v0  }
0x16: {  	[tilespmem:s16+$0x10] =	vst v0  }
0x17: {  	[tilespmem:s16+$0x0] =	vst v0  }
0x18: {  	[tilespmem:s16+$0xFFFFFFF0] =	vst v0  }
0x19: {  	s17 =	simm.s32 $0x0;
	[tilespmem:s16+$0xFFFFFFE0] =	vst v0  }
.LBB2_2:
0x1a: {  	s17 =	sadd.s32 $0x8, s17;
	[tilespmem:s16+$0xFFFFFFD0] =	vst v0;
	s16 =	sadd.s32 $0x80, s16  }
0x1b: {  	[tilespmem:s16+$0xFFFFFFC0] =	vst v0;
	p0 =	slt.u32 s17, $0x270  }
0x1c: {  	[tilespmem:s16+$0x30] =	vst v0  }
.Ltmp0:
0x1d: {  	[tilespmem:s16+$0x20] =	vst v0;
	(pc) =	sbr.rel @p0 .LBB2_2-.Ltmp0, $4  }
0x1e: {  	[tilespmem:s16+$0x10] =	vst v0  }
0x1f: {  	[tilespmem:s16+$0x0] =	vst v0  }
0x20: {  	[tilespmem:s16+$0xFFFFFFF0] =	vst v0  }
0x21: {  	[tilespmem:s16+$0xFFFFFFE0] =	vst v0  }
0x22: {  	[tilespmem:s16+$0xFFFFFFD0] =	vst v0  }
0x23: {  	_ =	swait.ge [sflag:s12], $0x2710  }
0x24: {  	[sflag:s12] =	ssyncset.done $0x0  }
0x25: {  	[sflag:s12] =	ssyncadd.s32 $0xFFFFD8F0  }
0x26: {  	_ =	swait.ge [sflag:s12], $0x2710  }
0x27: {  	[sflag:s12] =	ssyncset.done $0x0  }
0x28: {  	[sflag:s12] =	ssyncadd.s32 $0xFFFFD8F0  }
0x29: {  	_ =	swait.ge [sflag:s12], $0x2710  }
0x2a: {  	[sflag:s12] =	ssyncset.done $0x0  }
0x2b: {  	[sflag:s12] =	ssyncadd.s32 $0xFFFFD8F0  }
0x2c: {  	_ =	swait.ge [sflag:s12], $0x2710  }
0x2d: {  	[sflag:s12] =	ssyncset.done $0x0  }
0x2e: {  	s30 =	simm.s32 $0x75C0;
	[sflag:s12] =	ssyncadd.s32 $0xFFFFD8F0  }
0x2f: {  	v1 =	vld [tilespmem:s30+$0x10]  }
0x30: {  	v2 =	vld [tilespmem:s30+$0xFFFFFFE0]  }
0x31: {  	v3 =	vld [tilespmem:s30+$0xFFFFFFF0]  }
0x32: {  	s18 =	simm.s32 $0x20;
	v4 =	vld [tilespmem:s30+$0x0]  }
0x33: {  	s31 =	simm.s32 $0x2730;
	v5 =	vld [tilespmem:s18+$0x10]  }
0x34: {  	s17 =	simm.s32 $0x7600;
	v6 =	vld [tilespmem:s31+$0x10]  }
0x35: {  	v10 =	vld [tilespmem:s17+$0xFFFFFFE0]  }
0x36: {  	v7 =	vld [tilespmem:s31+$0xFFFFFFF0]  }
0x37: {  	v8 =	vld [tilespmem:s31+$0x0]  }
0x38: {  	v1 =	vld.idx.msk [tilespmem:v1+s11+$0x0], $0xffff  }
0x39: {  	v9 =	vld [tilespmem:s18+$0x0]  }
0x3a: {  	v2 =	vld.idx.msk [tilespmem:v2+s11+$0x0], $0xffff  }
0x3b: {  	v3 =	vld.idx.msk [tilespmem:v3+s11+$0x0], $0xffff  }
0x3c: {  	v4 =	vld.idx.msk [tilespmem:v4+s11+$0x0], $0xffff  }
0x3d: {  	v10 =	vld.idx.msk [tilespmem:v10+s11+$0x0], $0xffff;
	v1 =	vmul.f32 v1, v6  }
0x3e: {  	v6 =	vld [tilespmem:s18+$0xFFFFFFF0]  }
0x3f: {  	[tilespmem:v5+s13+$0x0] =	vst.idx.add.f32.msk $0xffff, v1  }
0x40: {  	v1 =	vld [tilespmem:s17+$0x10]  }
0x41: {  	v3 =	vmul.f32 v3, v7;
	v7 =	vld [tilespmem:s17+$0xFFFFFFF0]  }
0x42: {  	v4 =	vmul.f32 v4, v8;
	v8 =	vld [tilespmem:s17+$0x0]  }
0x43: {  	v5 =	vld [tilespmem:s31+$0xFFFFFFE0]  }
0x44: {  	s16 =	simm.s32 $0x60;
	[tilespmem:v9+s13+$0x0] =	vst.idx.add.f32.msk $0xffff, v4  }
0x45: {  	v4 =	vld [tilespmem:s16+$0x10];
	s17 =	simm.s32 $0x2770  }
0x46: {  	v9 =	vld [tilespmem:s17+$0x10]  }
0x47: {  	[tilespmem:v6+s13+$0x0] =	vst.idx.add.f32.msk $0xffff, v3  }
0x48: {  	v6 =	vld.idx.msk [tilespmem:v1+s11+$0x0], $0xffff  }
0x49: {  	v11 =	vld.idx.msk [tilespmem:v7+s11+$0x0], $0xffff  }
0x4a: {  	v3 =	vld.idx.msk [tilespmem:v8+s11+$0x0], $0xffff  }
0x4b: {  	v8 =	vld [tilespmem:s17+$0xFFFFFFE0]  }
0x4c: {  	v7 =	vld [tilespmem:s17+$0x0]  }
0x4d: {  	v6 =	vmul.f32 v6, v9;
	v9 =	vld [tilespmem:s17+$0xFFFFFFF0]  }
0x4e: {  	v1 =	vld [tilespmem:s18+$0xFFFFFFE0]  }
0x4f: {  	[tilespmem:v4+s13+$0x0] =	vst.idx.add.f32.msk $0xffff, v6  }
0x50: {  	v4 =	vld [tilespmem:s16+$0xFFFFFFF0]  }
0x51: {  	v2 =	vmul.f32 v2, v5;
	v5 =	vld [tilespmem:s16+$0x0]  }
0x52: {  	s19 =	simm.s32 $0x7640;
	s18 =	simm.s32 $0x4;
	v6 =	vmul.f32 v10, v8;
	v8 =	vld [tilespmem:s16+$0xFFFFFFE0];
	v9 =	vmul.f32 v11, v9  }
.LBB2_4:
0x53: {  	v10 =	vld [tilespmem:s19+$0x10];
	s18 =	sadd.s32 $0x4, s18;
	v3 =	vmul.f32 v3, v7  }
0x54: {  	v7 =	vld [tilespmem:s19+$0xFFFFFFE0];
	p0 =	slt.u32 s18, $0x26C  }
0x55: {  	v11 =	vld [tilespmem:s19+$0xFFFFFFF0]  }
0x56: {  	v12 =	vld [tilespmem:s19+$0x0]  }
0x57: {  	[tilespmem:v1+s13+$0x0] =	vst.idx.add.f32.msk $0xffff, v2;
	v2 =	vmov v6;
	v1 =	vmov v8  }
0x58: {  	[tilespmem:v4+s13+$0x0] =	vst.idx.add.f32.msk $0xffff, v9  }
0x59: {  	s16 =	sadd.s32 $0x40, s16;
	[tilespmem:v5+s13+$0x0] =	vst.idx.add.f32.msk $0xffff, v3  }
0x5a: {  	v4 =	vld [tilespmem:s16+$0x10]  }
0x5b: {  	s17 =	sadd.s32 $0x40, s17;
	v5 =	vld.idx.msk [tilespmem:v10+s11+$0x0], $0xffff  }
0x5c: {  	v6 =	vld [tilespmem:s17+$0x10]  }
0x5d: {  	v8 =	vld.idx.msk [tilespmem:v7+s11+$0x0], $0xffff  }
0x5e: {  	v9 =	vld.idx.msk [tilespmem:v11+s11+$0x0], $0xffff  }
0x5f: {  	v3 =	vld.idx.msk [tilespmem:v12+s11+$0x0], $0xffff  }
0x60: {  	v10 =	vld [tilespmem:s17+$0xFFFFFFE0]  }
0x61: {  	v11 =	vld [tilespmem:s17+$0xFFFFFFF0];
	v5 =	vmul.f32 v5, v6  }
.Ltmp1:
0x62: {  	v7 =	vld [tilespmem:s17+$0x0];
	(pc) =	sbr.rel @p0 .LBB2_4-.Ltmp1, $4  }
0x63: {  	[tilespmem:v4+s13+$0x0] =	vst.idx.add.f32.msk $0xffff, v5  }
0x64: {  	v4 =	vld [tilespmem:s16+$0xFFFFFFF0]  }
0x65: {  	v6 =	vmul.f32 v8, v10;
	v5 =	vld [tilespmem:s16+$0x0]  }
0x66: {  	s19 =	sadd.s32 $0x40, s19;
	v8 =	vld [tilespmem:s16+$0xFFFFFFE0];
	v9 =	vmul.f32 v9, v11  }
0x67: {  	_ =	sdelay $0x4  }
0x68: {  	v3 =	vmul.f32 v3, v7;
	[tilespmem:v1+s13+$0x0] =	vst.idx.add.f32.msk $0xffff, v2  }
0x69: {  	[tilespmem:v4+s13+$0x0] =	vst.idx.add.f32.msk $0xffff, v9  }
0x6a: {  	[tilespmem:v5+s13+$0x0] =	vst.idx.add.f32.msk $0xffff, v3  }
0x6b: {  	[tilespmem:v8+s13+$0x0] =	vst.idx.add.f32.msk $0xffff, v6  }
0x6c: {  	v1 =	vld [tilespmem:$0x9CA0];
	_ =	sdelay $0x5  }
0x6d: {  	v2 =	vld [tilespmem:$0x2700]  }
0x6e: {  	v3 =	vld [tilespmem:$0x4E10]  }
0x6f: {  	v1 =	vld.idx.msk [tilespmem:v1+s11+$0x0], $0xffff;
	_ =	sdelay $0x4  }
0x70: {  	s15 =	sadd.s32 $0x1, s15;
	v1 =	vmul.f32 v1, v3  }
0x71: {  	p0 =	sne.s32 s15, s8  }
.Ltmp2:
0x72: {  	[tilespmem:v2+s13+$0x0] =	vst.idx.add.f32.msk $0xffff, v1;
	(pc) =	sbr.rel @p0 .LBB2_1-.Ltmp2, $4  }
0x73: {  	[hbm4b:s7+s3] =	stream.linear.scatter [tilespmem:s13], [sflag:$0x2], $0x2780, $0x38;
	[tilespmem:$0xC3C0] =	vst v63  }
0x74: {  	_ =	swait.ge [sflag:s14], $0x2780  }
0x75: {  	[sflag:s14] =	ssyncset.done $0x0  }
0x76: {  	[sflag:s14] =	ssyncadd.s32 $0xFFFFD880  }
0x77: {  	_ =	sfence.sel $0x180000  }
0x78: {  	[bflag:$0x0] =	sbarrier.arrive $0xFFFF  }
0x79: {  	p0 =	sne.s32 s0, $0x0;
	_ =	strace $0x9000004D  }
0x7a: {  	s0 =	sadd.s32 @!p0 $0x100000, s1;
	[bflag:$0x2] =	sbarrier.arrive $0xFFFF  }
0x7b: {  	[sflag:s0] =	ssyncadd.tile.s32 @!p0 $0x1;
	_ =	shalt  }
.Lfunc_end2:
_tile_overlayer_lowered:
.L_overlay_start_2:
0x7c: {  	(tag) =	ssettag $0x2  }
0x7d: {  	s0 =	rddreg [dreg:$0x0];
	s2 =	stileid.u32  }
0x7e: {  	s1 =	rddreg [dreg:$0x1];
	p0 =	sne.s32 s2, $0x0  }
0x7f: {  	s3 =	rddreg [dreg:$0x2];
	[bflag:$0x3] =	sbarrier.arrive $0xFFFF;
	s2 =	simm.s32 @!p0 $0x1C02  }
0x80: {  	[timem:s3], [sflag:s2] =	dma.local @!p0 [hbm:s0], s1  }
0x81: {  	s0 =	simm.s32 @!p0 $0x2  }
0x82: {  	_ =	swait.ge @!p0 [sflag:s0], s1  }
0x83: {  	s1 =	ssub.s32 @!p0 $0x0, s1;
	[sflag:s0] =	ssyncset.done @!p0 $0x0  }
0x84: {  	[sflag:s0] =	ssyncadd.s32 @!p0 s1  }
0x85: {  	[bflag:$0x3] =	sbarrier.arrive $0xFFFF  }
0x86: {  	_ =	shalt  }

// kernel: kernel.9.cloned.1.call-start
scs
__scs_entry_jumppad:
0x0: {  	(pc) =	sbr.rel $0x88, $3  }
0x1: {  	(tag) =	ssettag $0x0;
	lr =	simm.s32 $0x1  }
0x2: {  	[smem:$0x3F9A] =	sst lr;
	_ =	strace $0xD0000000  }
0x3: {  	_ = 	snop  }
0x4: {  	_ = 	snop  }
0x5: {  	_ = 	snop  }
0x6: {  	_ = 	snop  }
0x7: {  	_ = 	snop  }
__scs_overlays_trampoline_lowered:
0x8: {  	[smem:$0x3FA9] =	sst s0  }
0x9: {  	[smem:$0x3FAA] =	sst s1  }
0xa: {  	[smem:$0x3FAB] =	sst s2  }
0xb: {  	[smem:$0x3FAC] =	sst s3  }
0xc: {  	[smem:$0x3FAD] =	sst s4  }
0xd: {  	[smem:$0x3FAE] =	sst s5  }
0xe: {  	[smem:$0x3FAF] =	sst s6  }
0xf: {  	[smem:$0x3FB0] =	sst s7  }
0x10: {  	[smem:$0x3FB1] =	sst s8  }
0x11: {  	[smem:$0x3FB2] =	sst s9;
	s0 =	simm.s32 @!p0 $0x0  }
0x12: {  	s1 =	sld [smem:$0x3F98];
	s0 =	simm.s32 @p0 $0x1  }
0x13: {  	[smem:$0x3FB3] =	sst s0;
	s0 =	simm.s32 @!p1 $0x0  }
0x14: {  	s2 =	sld [smem:$0x3F97];
	s0 =	simm.s32 @p1 $0x1  }
0x15: {  	[smem:$0x3FB4] =	sst s0;
	s0 =	simm.s32 @!p2 $0x0  }
0x16: {  	s3 =	sld [smem:$0x3FDB];
	s0 =	simm.s32 @p2 $0x1  }
0x17: {  	s4 =	simm.s32 $0x1BF5;
	[smem:$0x3FB6] =	sst s0  }
0x18: {  	s0 =	sld [smem:$0x3F99];
	_ =	swait.ge [sflag:s4], $0x0  }
0x19: {  	s7 =	sld [smem:$0x3F9A]  }
0x1a: {  	s8 =	sadd.s32 $0xFFFFE003, lr  }
0x1b: {  	s9 =	sadd.s32 $0xFFFFFEF7, lr;
	s5 =	simm.s32 $0xFFFFFFFF;
	p2 =	slt.u32 s8, $0xFFFFF086  }
0x1c: {  	p1 =	slt.u32 s9, $0xF7A;
	s5 =	simm.s32 @!p2 $0x0  }
0x1d: {  	s5 =	simm.s32 @p1 $0x1;
	p0 =	seq.s32 s7, s2  }
0x1e: {  	s7 =	smul.u32 @!p0 $0xF7A, s2;
	p2 =	seq.s32 @!p0 s5, $0x0  }
0x1f: {  	s9 =	smul.u32 $0xF7A, s1;
	s8 =	simm.s32 @!p0 $0x1BF5;
	p2 =	por !p2, p0  }
0x20: {  	[sflag:s8] =	ssyncset.s32 @!p0 $0xFFFFF086;
	s6 =	sadd.s32 @!p0 s3, s7;
	s7 =	simm.s32 @!p0 $0x108  }
0x21: {  	s3 =	sadd.s32 s3, s9;
	s6 =	sadd.s32 @!p0 $0x88, s6;
	s7 =	simm.s32 @p2 $0x1082  }
0x22: {  	[simem:s7], [sflag:s8] =	dma.local @!p0 [hbm:s6], $0xF7A  }
0x23: {  	s9 =	sor.u32 $0xD0000000, s2;
	s6 =	simm.s32 $0x108;
	_ =	swait.ge @!p0 [sflag:s8], $0x0  }
0x24: {  	s3 =	sadd.s32 $0x88, s3;
	s6 =	simm.s32 @!p1 $0x1082;
	[sflag:s4] =	ssyncset.s32 $0xFFFFF086  }
0x25: {  	[simem:s6], [sflag:s4] =	dma.local [hbm:s3], $0xF7A  }
0x26: {  	[smem:$0x3F9A] =	sst s1;
	(tag) =	ssettag s2;
	_ =	strace s9  }
0x27: {  	s1 =	sld [smem:$0x3FAA]  }
0x28: {  	s2 =	sld [smem:$0x3FAB]  }
0x29: {  	s4 =	sld [smem:$0x3FAD]  }
0x2a: {  	p0 =	seq.s32 s5, $0x0;
	s5 =	sld [smem:$0x3FAE]  }
0x2b: {  	s6 =	sld [smem:$0x3FAF]  }
0x2c: {  	s7 =	sld [smem:$0x3FB0]  }
0x2d: {  	s3 =	simm.s32 $0x108;
	s8 =	sld [smem:$0x3FB1]  }
0x2e: {  	s3 =	simm.s32 @!p0 $0x1082;
	s9 =	sld [smem:$0x3FB2]  }
0x2f: {  	lr =	sadd.s32 s0, s3;
	s0 =	sld [smem:$0x3FA9]  }
0x30: {  	s3 =	sld [smem:$0x3FAC]  }
0x31: {  	[smem:$0x3FB5] =	sst s10  }
0x32: {  	s10 =	sld [smem:$0x3FB3];
	_ =	sdelay $0x3  }
0x33: {  	p0 =	seq.s32 s10, $0x1;
	s10 =	sld [smem:$0x3FB5];
	_ =	sdelay $0x3  }
0x34: {  	[smem:$0x3FB5] =	sst s10  }
0x35: {  	s10 =	sld [smem:$0x3FB4];
	_ =	sdelay $0x3  }
0x36: {  	p1 =	seq.s32 s10, $0x1;
	s10 =	sld [smem:$0x3FB5];
	_ =	sdelay $0x3  }
0x37: {  	[smem:$0x3FB5] =	sst s10  }
0x38: {  	s10 =	sld [smem:$0x3FB6]  }
0x39: {  	_ = 	snop;
	(pc) =	sbr.ind lr, $3  }
0x3a: {  	_ = 	snop  }
0x3b: {  	_ = 	snop  }
0x3c: {  	p2 =	seq.s32 s10, $0x1;
	s10 =	sld [smem:$0x3FB5]  }
0x3d: {  	_ =	shalt  }
0x3e: {  	_ =	shalt  }
0x3f: {  	_ =	shalt  }
0x40: {  	_ =	shalt  }
0x41: {  	_ =	shalt  }
0x42: {  	_ =	shalt  }
0x43: {  	_ =	shalt  }
0x44: {  	_ =	shalt  }
0x45: {  	_ =	shalt  }
0x46: {  	_ =	shalt  }
0x47: {  	_ =	shalt  }
0x48: {  	_ =	shalt  }
0x49: {  	_ =	shalt  }
0x4a: {  	_ =	shalt  }
0x4b: {  	_ =	shalt  }
0x4c: {  	_ =	shalt  }
0x4d: {  	_ =	shalt  }
0x4e: {  	_ =	shalt  }
0x4f: {  	_ =	shalt  }
0x50: {  	_ =	shalt  }
0x51: {  	_ =	shalt  }
0x52: {  	_ =	shalt  }
0x53: {  	_ =	shalt  }
0x54: {  	_ =	shalt  }
0x55: {  	_ =	shalt  }
0x56: {  	_ =	shalt  }
0x57: {  	_ =	shalt  }
0x58: {  	_ =	shalt  }
0x59: {  	_ =	shalt  }
0x5a: {  	_ =	shalt  }
0x5b: {  	_ =	shalt  }
0x5c: {  	_ =	shalt  }
0x5d: {  	_ =	shalt  }
0x5e: {  	_ =	shalt  }
0x5f: {  	_ =	shalt  }
0x60: {  	_ =	shalt  }
0x61: {  	_ =	shalt  }
0x62: {  	_ =	shalt  }
0x63: {  	_ =	shalt  }
0x64: {  	_ =	shalt  }
0x65: {  	_ =	shalt  }
0x66: {  	_ =	shalt  }
0x67: {  	_ =	shalt  }
0x68: {  	_ =	shalt  }
0x69: {  	_ =	shalt  }
0x6a: {  	_ =	shalt  }
0x6b: {  	_ =	shalt  }
0x6c: {  	_ =	shalt  }
0x6d: {  	_ =	shalt  }
0x6e: {  	_ =	shalt  }
0x6f: {  	_ =	shalt  }
0x70: {  	_ =	shalt  }
0x71: {  	_ =	shalt  }
0x72: {  	_ =	shalt  }
0x73: {  	_ =	shalt  }
0x74: {  	_ =	shalt  }
0x75: {  	_ =	shalt  }
0x76: {  	_ =	shalt  }
0x77: {  	_ =	shalt  }
0x78: {  	_ =	shalt  }
0x79: {  	_ =	shalt  }
0x7a: {  	_ =	shalt  }
0x7b: {  	_ =	shalt  }
0x7c: {  	_ =	shalt  }
0x7d: {  	_ =	shalt  }
0x7e: {  	_ =	shalt  }
0x7f: {  	_ =	shalt  }
0x80: {  	_ =	shalt  }
0x81: {  	_ =	shalt  }
0x82: {  	_ =	shalt  }
0x83: {  	_ =	shalt  }
0x84: {  	_ =	shalt  }
0x85: {  	_ =	shalt  }
0x86: {  	_ =	shalt  }
0x87: {  	_ =	shalt  }
.Lfunc_end0:
.L_simem_size_0:
called_computation_lowered:
.L_overlay_start_0:
0x88: {  	s2 =	sld [smem:$0x3FD9]  }
0x89: {  	s3 =	sld [smem:$0x3FFE];
	_ =	sdelay $0x1  }
0x8a: {  	s1 =	srdreg.scid  }
0x8b: {  	s0 =	sand.u32 $0x1, s1  }
0x8c: {  	s17 =	sshll.u32 s0, $0xA;
	s2 =	sadd.s32 s3, s2  }
0x8d: {  	s2 =	sadd.s32 s2, s17  }
0x8e: {  	[smem:$0x3FC1] =	sst s2  }
0x8f: {  	_ = 	snop  }
0x90: {  	s2 =	sld [smem:$0x3FC7];
	(tm) =	ssettm $0x1  }
0x91: {  	s18 =	sld [smem:$0x3FFB];
	_ =	sdelay $0x3  }
0x92: {  	_ =	strace s18  }
0x93: {  	s3 =	sld [smem:$0x3FFC];
	_ =	sdelay $0x3  }
0x94: {  	_ =	strace s3  }
0x95: {  	s3 =	sld [smem:$0x3FFD];
	_ =	sdelay $0x3  }
0x96: {  	_ =	strace s3  }
0x97: {  	_ =	strace $0x8FFFFFFF  }
0x98: {  	s19 =	sld [smem:$0x3FDB];
	_ =	sdelay $0x1  }
0x99: {  	s4 =	simm.s32 $_scs_section_size  }
0x9a: {  	s5 =	simm.s32 $_size__tile_overlayer_lowered;
	s6 =	simm.s32 $_tile_overlayer_lowered  }
0x9b: {  	s22 =	simm.s32 $0x1BFF;
	s21 =	sshll.u32 s6, $0x1;
	s3 =	sadd.s32 s4, s19  }
0x9c: {  	s7 =	simm.s32 $0x0;
	s20 =	sshll.u32 s5, $0x1;
	s5 =	sadd.s32 s21, s3  }
0x9d: {  	[timem:s7], [sflag:s22] =	dma.local [hbm:s5], s20  }
0x9e: {  	_ =	swait.ge [sflag:s22], s20  }
0x9f: {  	s4 =	ssub.s32 $0x0, s20;
	[sflag:s22] =	ssyncset.done $0x0  }
0xa0: {  	[sflag:s22] =	ssyncadd.s32 s4;
	_ =	sdelay $0x1  }
0xa1: {  	s23 =	simm.s32 $0x1B8B  }
0xa2: {  	_ =	swait.ge [sflag:s23], $0x1  }
0xa3: {  	[sflag:s23] =	ssyncset.done $0x0  }
0xa4: {  	s25 =	simm.s32 $0x1B8E;
	s24 =	sld [smem:$0x3FFE];
	[sflag:s23] =	ssyncadd.s32 $0xFFFFFFFF  }
0xa5: {  	s26 =	simm.s32 $execute0_lowered;
	[smem:$0x3FD2] =	sst s25  }
0xa6: {  	s5 =	sshll.u32 s26, $0x1;
	_ =	strace $0x80000046;
	[dreg:$0x1] =	wrdreg $0xFFFFFFFF  }
0xa7: {  	s28 =	simm.s32 $_size_execute0_lowered;
	s3 =	sadd.s32 s3, s5;
	[dreg:$0x0] =	wrdreg $0x0  }
0xa8: {  	s5 =	sshll.u32 s28, $0x1;
	[dreg:$0x2] =	wrdreg s3  }
0xa9: {  	[dreg:$0x3] =	wrdreg s5  }
0xaa: {  	[dreg:$0x4] =	wrdreg $0xC0  }
0xab: {  	_ =	task [dreg:s7], $0x5FFFF  }
0xac: {  	[dreg:$0x1] =	wrdreg $0xFFFFFFFF  }
0xad: {  	[dreg:$0x0] =	wrdreg $0x60  }
0xae: {  	[dreg:$0x2] =	wrdreg s24  }
0xaf: {  	[dreg:$0x3] =	wrdreg s2  }
0xb0: {  	[dreg:$0x4] =	wrdreg $0x9  }
0xb1: {  	_ =	task.clear_ibuf [dreg:s7], $0x5FFFF;
	_ =	strace $0x90000046  }
0xb2: {  	s29 =	simm.s32 $0x9;
	_ =	strace $0x80000048  }
0xb3: {  	_ =	swait.ge [sflag:s29], $0x1  }
0xb4: {  	[sflag:s29] =	ssyncadd.s32 $0xFFFFFFFF  }
0xb5: {  	_ =	strace $0x90000048  }
0xb6: {  	_ =	sfence  }
0xb7: {  	s30 =	sld [smem:$0x0];
	_ =	sdelay $0x2  }
0xb8: {  	s31 =	sshll.u32 s1, $0xD;
	s1 =	sshrl.u32 s1, $0x2  }
0xb9: {  	s3 =	sand.u32 $0x4000, s31;
	s1 =	sadd.s32 s1, s30  }
0xba: {  	s0 =	sor.u32 s3, s0;
	s1 =	sshll.u32 s1, $0x11  }
0xbb: {  	s0 =	sor.u32 s1, s0  }
0xbc: {  	s0 =	sadd.s32 $0x8F2B, s0  }
0xbd: {  	[sflag:s0] =	ssyncadd.remote.s32 $0x1  }
0xbe: {  	_ =	sfence.sel $0xFFFF  }
0xbf: {  	[dreg:$0x0] =	wrdreg $0xFFFFFFFF;
	(pc) =	sbr.abs _section_cstart, $3  }
0xc0: {  	[dreg:$0x1] =	wrdreg $0xFFFFFFFF  }
0xc1: {  	_ =	task.clear_ibuf [dreg:s7], $0x2FFFF;
	_ =	strace $0x9FFFFFFF  }
0xc2: {  	(tm) =	ssettm $0x7FFFFFFF  }
0xc3: {  	_ =	shalt  }
tec
execute0_lowered:
.L_overlay_start_1:
0x0: {  	(tag) =	ssettag $0x1  }
0x1: {  	s1 =	srdreg.scid  }
0x2: {  	s0 =	stileid.u32;
	s3 =	rddreg [dreg:$0x0]  }
0x3: {  	s5 =	rddreg [dreg:$0x1];
	s4 =	sand.u32 $0x1, s1;
	s31 =	sshll.u32 s0, $0x1  }
0x4: {  	s2 =	simm.s32 $0x0;
	s10 =	simm.s32 $0x2;
	s6 =	sor.u32 s4, s31  }
0x5: {  	s11 =	simm.s32 $0x0;
	s4 =	ssub.s32 $0x2, s4;
	s7 =	smul.u32 $0x4E2, s6  }
0x6: {  	[smem:$0x7FF] =	sst s2;
	s6 =	smul.u32 $0x4F0, s6;
	s8 =	sshrl.u32 s4, $0x1  }
0x7: {  	s1 =	rddreg [dreg:$0x2];
	_ =	strace $0x80000047;
	s8 =	ssub.s32 s4, s8  }
0x8: {  	s9 =	sadd.s32 s7, s3;
	s6 =	sadd.s32 s6, s3;
	s4 =	sadd.s32 s5, s7  }
0x9: {  	s7 =	simm.s32 $0x2710;
	s3 =	sadd.s32 $0x3200, s9;
	s5 =	sadd.s32 $0x16E00, s6  }
0xa: {  	v0 =	vimm.f32 $0.0e+00;
	s6 =	smax.u32 s8, $0x1;
	s8 =	simm.s32 $0x1;
	s9 =	simm.s32 $0x4E20  }
.LBB2_1:
0xb: {  	[tilespmem:s2], [sflag:$0x1] =	stream.linear.gather [hbm4b:s3+s2], $0x2710, $0x38;
	[tilespmem:$0x75A0] =	vst v63  }
0xc: {  	s12 =	simm.s32 $0x4E60  }
0xd: {  	[tilespmem:s7], [sflag:$0x1] =	stream.linear.gather [hbm4b:s4+s2], $0x2710, $0x38;
	[tilespmem:$0x75A0] =	vst v63  }
0xe: {  	[tilespmem:s12+$0xFFFFFFC0] =	vst v0  }
0xf: {  	[tilespmem:s12+$0x30] =	vst v0  }
0x10: {  	[tilespmem:s12+$0x20] =	vst v0  }
0x11: {  	[tilespmem:s12+$0x10] =	vst v0  }
0x12: {  	[tilespmem:s12+$0x0] =	vst v0  }
0x13: {  	[tilespmem:s12+$0xFFFFFFF0] =	vst v0  }
0x14: {  	s13 =	simm.s32 $0x0;
	[tilespmem:s12+$0xFFFFFFE0] =	vst v0  }
.LBB2_2:
0x15: {  	s13 =	sadd.s32 $0x8, s13;
	[tilespmem:s12+$0xFFFFFFD0] =	vst v0;
	s12 =	sadd.s32 $0x80, s12  }
0x16: {  	[tilespmem:s12+$0xFFFFFFC0] =	vst v0;
	p0 =	slt.u32 s13, $0x270  }
0x17: {  	[tilespmem:s12+$0x30] =	vst v0  }
.Ltmp0:
0x18: {  	[tilespmem:s12+$0x20] =	vst v0;
	(pc) =	sbr.rel @p0 .LBB2_2-.Ltmp0, $4  }
0x19: {  	[tilespmem:s12+$0x10] =	vst v0  }
0x1a: {  	[tilespmem:s12+$0x0] =	vst v0  }
0x1b: {  	[tilespmem:s12+$0xFFFFFFF0] =	vst v0  }
0x1c: {  	[tilespmem:s12+$0xFFFFFFE0] =	vst v0  }
0x1d: {  	[tilespmem:s12+$0xFFFFFFD0] =	vst v0  }
0x1e: {  	_ =	swait.ge [sflag:s8], $0x2710  }
0x1f: {  	[sflag:s8] =	ssyncset.done $0x0  }
0x20: {  	[sflag:s8] =	ssyncadd.s32 $0xFFFFD8F0  }
0x21: {  	_ =	swait.ge [sflag:s8], $0x2710  }
0x22: {  	[sflag:s8] =	ssyncset.done $0x0  }
0x23: {  	s13 =	simm.s32 $0x20;
	[sflag:s8] =	ssyncadd.s32 $0xFFFFD8F0  }
0x24: {  	v5 =	vld [tilespmem:s13+$0x10]  }
0x25: {  	v6 =	vld [tilespmem:s13+$0xFFFFFFF0]  }
0x26: {  	s12 =	simm.s32 $0x2730;
	v1 =	vld [tilespmem:s13+$0x0]  }
0x27: {  	v7 =	vld [tilespmem:s12+$0x10]  }
0x28: {  	v8 =	vld [tilespmem:s12+$0xFFFFFFF0]  }
0x29: {  	v4 =	vld [tilespmem:s12+$0x0]  }
0x2a: {  	v2 =	vld [tilespmem:s13+$0xFFFFFFE0]  }
0x2b: {  	v3 =	vld [tilespmem:s12+$0xFFFFFFE0]  }
0x2c: {  	[tilespmem:v5+s9+$0x0] =	vst.idx.add.f32.msk $0xffff, v7  }
0x2d: {  	s14 =	simm.s32 $0x60;
	s13 =	simm.s32 $0x0;
	[tilespmem:v6+s9+$0x0] =	vst.idx.add.f32.msk $0xffff, v8  }
.LBB2_4:
0x2e: {  	v5 =	vld [tilespmem:s14+$0x10];
	s13 =	sadd.s32 $0x4, s13;
	v6 =	vmov v4  }
0x2f: {  	v7 =	vld [tilespmem:s14+$0xFFFFFFF0];
	p0 =	slt.u32 s13, $0x26C  }
0x30: {  	s12 =	sadd.s32 $0x40, s12;
	v8 =	vld [tilespmem:s14+$0x0]  }
0x31: {  	v9 =	vld [tilespmem:s12+$0x10]  }
0x32: {  	v10 =	vld [tilespmem:s14+$0xFFFFFFE0]  }
0x33: {  	v11 =	vld [tilespmem:s12+$0xFFFFFFE0]  }
0x34: {  	v12 =	vld [tilespmem:s12+$0xFFFFFFF0]  }
.Ltmp1:
0x35: {  	v4 =	vld [tilespmem:s12+$0x0];
	(pc) =	sbr.rel @p0 .LBB2_4-.Ltmp1, $4  }
0x36: {  	[tilespmem:v5+s9+$0x0] =	vst.idx.add.f32.msk $0xffff, v9  }
0x37: {  	[tilespmem:v2+s9+$0x0] =	vst.idx.add.f32.msk $0xffff, v3;
	v2 =	vmov v10  }
0x38: {  	[tilespmem:v1+s9+$0x0] =	vst.idx.add.f32.msk $0xffff, v6;
	v1 =	vmov v8;
	v3 =	vmov v11  }
0x39: {  	s14 =	sadd.s32 $0x40, s14;
	[tilespmem:v7+s9+$0x0] =	vst.idx.add.f32.msk $0xffff, v12  }
0x3a: {  	_ =	sdelay $0x3  }
0x3b: {  	[tilespmem:v2+s9+$0x0] =	vst.idx.add.f32.msk $0xffff, v3  }
0x3c: {  	[tilespmem:v1+s9+$0x0] =	vst.idx.add.f32.msk $0xffff, v4  }
0x3d: {  	v1 =	vld [tilespmem:$0x2700];
	_ =	sdelay $0x2  }
0x3e: {  	v2 =	vld [tilespmem:$0x4E10];
	_ =	sdelay $0x2  }
0x3f: {  	s11 =	sadd.s32 $0x1, s11  }
0x40: {  	p0 =	sne.s32 s11, s6  }
.Ltmp2:
0x41: {  	[tilespmem:v1+s9+$0x0] =	vst.idx.add.f32.msk $0xffff, v2;
	(pc) =	sbr.rel @p0 .LBB2_1-.Ltmp2, $4  }
0x42: {  	[hbm4b:s5+s2] =	stream.linear.scatter [tilespmem:s9], [sflag:$0x2], $0x2780, $0x38;
	[tilespmem:$0x75A0] =	vst v63  }
0x43: {  	_ =	swait.ge [sflag:s10], $0x2780  }
0x44: {  	[sflag:s10] =	ssyncset.done $0x0  }
0x45: {  	[sflag:s10] =	ssyncadd.s32 $0xFFFFD880  }
0x46: {  	_ =	sfence.sel $0x180000  }
0x47: {  	[bflag:$0x0] =	sbarrier.arrive $0xFFFF  }
0x48: {  	p0 =	sne.s32 s0, $0x0;
	_ =	strace $0x90000047  }
0x49: {  	s0 =	sadd.s32 @!p0 $0x100000, s1;
	[bflag:$0x2] =	sbarrier.arrive $0xFFFF  }
0x4a: {  	[sflag:s0] =	ssyncadd.tile.s32 @!p0 $0x1;
	_ =	shalt  }
.Lfunc_end2:
_tile_overlayer_lowered:
.L_overlay_start_2:
0x4b: {  	(tag) =	ssettag $0x2  }
0x4c: {  	s0 =	rddreg [dreg:$0x0];
	s2 =	stileid.u32  }
0x4d: {  	s1 =	rddreg [dreg:$0x1];
	p0 =	sne.s32 s2, $0x0  }
0x4e: {  	s3 =	rddreg [dreg:$0x2];
	[bflag:$0x3] =	sbarrier.arrive $0xFFFF;
	s2 =	simm.s32 @!p0 $0x1C02  }
0x4f: {  	[timem:s3], [sflag:s2] =	dma.local @!p0 [hbm:s0], s1  }
0x50: {  	s0 =	simm.s32 @!p0 $0x2  }
0x51: {  	_ =	swait.ge @!p0 [sflag:s0], s1  }
0x52: {  	s1 =	ssub.s32 @!p0 $0x0, s1;
	[sflag:s0] =	ssyncset.done @!p0 $0x0  }
0x53: {  	[sflag:s0] =	ssyncadd.s32 @!p0 s1  }
0x54: {  	[bflag:$0x3] =	sbarrier.arrive $0xFFFF  }
0x55: {  	_ =	shalt  }

</sc_bundles>
